<compile_context>
chip_gen: v7x
topology: tpu7x:2x2x1
jax: 0.10.2.dev20260603
libtpu: 0.0.44.dev20260713+nightly
codegen_flags: <defaults>
</compile_context>

<pallas_src>
import functools

import jax
import jax.numpy as jnp
from jax import lax
from jax.experimental import pallas as pl
from jax.experimental.pallas import tpu as pltpu
from jax.experimental.pallas import tpu_sc as plsc

VOCAB = 1000000
EMBED = 16
BATCH = 16384
HIST = 200

TC_BN = 65536
TC_GRID = 16
NPAD = TC_BN * TC_GRID

NC = 2
NS = 16
NW = NC * NS
LANES = 16
ROWS_PER_W = BATCH // NW
GROUPS_PER_W = ROWS_PER_W // LANES
GLEN = HIST * LANES


def _tc_compress_body(w_ref, b_ref, embt_ref, t_ref):
    e = embt_ref[...]
    w = w_ref[...]
    t = jnp.dot(w, e, preferred_element_type=jnp.float32) + b_ref[0]
    t_ref[...] = t.reshape(TC_BN)


def _tc_compress(embt, wt, b):
    return pl.pallas_call(
        _tc_compress_body,
        grid=(TC_GRID,),
        in_specs=[
            pl.BlockSpec((1, EMBED), lambda i: (0, 0)),
            pl.BlockSpec(memory_space=pltpu.SMEM),
            pl.BlockSpec((EMBED, TC_BN), lambda i: (0, i)),
        ],
        out_specs=pl.BlockSpec((TC_BN,), lambda i: (i,)),
        out_shape=jax.ShapeDtypeStruct((NPAD,), jnp.float32),
    )(wt, b, embt)


def _sc_pool_body(t_hbm, xt_hbm, out_hbm, t_spmem, idx_v, vals_v, outw, gsem):
    c = lax.axis_index("c")
    s = lax.axis_index("s")
    wid = s * NC + c

    @pl.when(s == 0)
    def _fill():
        pltpu.sync_copy(t_hbm, t_spmem)

    plsc.subcore_barrier()

    def group_body(g, carry):
        gid = wid * GROUPS_PER_W + g
        pltpu.sync_copy(xt_hbm.at[gid], idx_v)
        pltpu.async_copy(t_spmem.at[idx_v], vals_v, gsem).wait()
        a0 = jnp.zeros((LANES,), jnp.float32)
        a1 = jnp.zeros((LANES,), jnp.float32)
        a2 = jnp.zeros((LANES,), jnp.float32)
        a3 = jnp.zeros((LANES,), jnp.float32)
        for j in range(0, HIST, 4):
            a0 = a0 + vals_v[pl.ds(j * LANES, LANES)]
            a1 = a1 + vals_v[pl.ds((j + 1) * LANES, LANES)]
            a2 = a2 + vals_v[pl.ds((j + 2) * LANES, LANES)]
            a3 = a3 + vals_v[pl.ds((j + 3) * LANES, LANES)]
        acc = (a0 + a1) + (a2 + a3)
        out16 = 1.0 / (1.0 + jnp.exp(-acc))
        outw[pl.ds(g * LANES, LANES)] = out16
        return carry

    lax.fori_loop(0, GROUPS_PER_W, group_body, 0)
    pltpu.sync_copy(outw, out_hbm.at[pl.ds(wid * ROWS_PER_W, ROWS_PER_W)])


_sc_pool = functools.partial(
    pl.kernel,
    out_type=jax.ShapeDtypeStruct((BATCH,), jnp.float32),
    mesh=plsc.VectorSubcoreMesh(core_axis_name="c", subcore_axis_name="s"),
    scratch_types=[
        pltpu.VMEM_SHARED((NPAD,), jnp.float32),
        pltpu.VMEM((GLEN,), jnp.int32),
        pltpu.VMEM((GLEN,), jnp.float32),
        pltpu.VMEM((ROWS_PER_W,), jnp.float32),
        pltpu.SemaphoreType.DMA,
    ],
)(_sc_pool_body)


def kernel(x, embedding, W, b):
    x = x.astype(jnp.int32)
    t = _tc_compress(embedding.T, W.reshape(1, EMBED) * (1.0 / HIST),
                     b * (1.0 / HIST))
    xt = (
        x.reshape(BATCH // LANES, LANES, HIST)
        .transpose(0, 2, 1)
        .reshape(BATCH // LANES, HIST * LANES)
    )
    out = _sc_pool(t, xt)
    return out.reshape(BATCH, 1)

# --- scband reference (transcript-rebuilt; emitter-appended) ---
"""Pipeline reference for scband-gspaper4-77627238908370 (READ-ONLY COPY).

The authoritative reference and input builder live on the scoring server;
editing this copy changes nothing except your own understanding.
"""

import jax, jax.numpy as jnp
import numpy as np

VOCAB = 1000000
EMBED = 16
BATCH = 16384
HIST = 200

def setup_inputs(seed: int = 0) -> dict:
    key = jax.random.key(seed)
    k_idx, k_emb, k_w, k_b = jax.random.split(key, 4)
    x = jax.random.randint(k_idx, (BATCH, HIST), 0, VOCAB, dtype=jnp.int64 if jax.config.jax_enable_x64 else jnp.int32)
    # glorot_normal init for embedding table [VOCAB, EMBED]
    emb_std = (2.0 / (VOCAB + EMBED)) ** 0.5
    embedding = jax.random.normal(k_emb, (VOCAB, EMBED), dtype=jnp.float32) * emb_std
    # Dense(features=1): default lecun_normal kernel init, zeros bias
    w_std = (1.0 / EMBED) ** 0.5
    W = jax.random.normal(k_w, (EMBED, 1), dtype=jnp.float32) * w_std
    b = jnp.zeros((1,), dtype=jnp.float32)
    return {"x": x, "embedding": embedding, "W": W, "b": b}

def reference(x, embedding, W, b):
    # nn.Embed lookup
    e = jnp.take(embedding, x, axis=0)            # [B, L, D]
    # average over sequence axis
    avg = jnp.mean(e, axis=1)                     # [B, D]
    # Dense(features=1)
    logits = avg @ W + b                          # [B, 1]
    # sigmoid
    out = jax.nn.sigmoid(logits)
    return out

if __name__ == "__main__":
    import jax
    _d = setup_inputs()
    print(jax.jit(kernel)(*tuple(_d.values())))

</pallas_src>

<mosaic_0001>
#map = affine_map<(d0, d1) -> (0)>
#map1 = affine_map<(d0, d1) -> (0, 0)>
module attributes {stable_mosaic.version = 14 : i64} {
  func.func @_sc_pool_body(%arg0: i32, %arg1: i32, %arg2: memref<1048576xf32, #tpu.memory_space<hbm>>, %arg3: memref<1024x3200xi32, #tpu.memory_space<hbm>>, %arg4: memref<16384xf32, #tpu.memory_space<hbm>>, %arg5: memref<1048576xf32, #tpu.memory_space<vmem_shared>>, %arg6: memref<3200xi32, #tpu.memory_space<vmem>>, %arg7: memref<3200xf32, #tpu.memory_space<vmem>>, %arg8: memref<512xf32, #tpu.memory_space<vmem>>, %arg9: memref<!tpu.dma_semaphore, #tpu.memory_space<semaphore_mem>>) attributes {dimension_semantics = [#tpu.dimension_semantics<core_parallel>, #tpu.dimension_semantics<subcore_parallel>], iteration_bounds = array<i64: 2, 16>, scalar_prefetch = 0 : i64, scratch_operands = 5 : i64, tpu.core_type = #tpu.core_type<sc_vector_subcore>, window_params = [{transform_indices = #map}, {transform_indices = #map1}, {transform_indices = #map}]} {
    %mul3A = arith.constant 2 : i32
    %mul3A_0 = arith.muli %arg1, %mul3A : i32
    %add3A = arith.addi %mul3A_0, %arg0 : i32
    %eq3A = arith.constant 0 : i32
    %eq3A_1 = arith.cmpi eq, %arg1, %eq3A : i32
    %convert_element_type3A = arith.extui %eq3A_1 : i1 to i32
    %cond3A = arith.constant 0 : i32
    %cond3A_2 = arith.cmpi ne, %convert_element_type3A, %cond3A : i32
    scf.if %cond3A_2 {
      "tpu.region"() ({
        %run_scoped3A = tpu.sem_alloc : memref<!tpu.dma_semaphore, #tpu.memory_space<semaphore_mem>>
        tpu.enqueue_dma source(%arg2 : memref<1048576xf32, #tpu.memory_space<hbm>>) target(%arg5 : memref<1048576xf32, #tpu.memory_space<vmem_shared>>) target_semaphore(%run_scoped3A : memref<!tpu.dma_semaphore, #tpu.memory_space<semaphore_mem>>)
        tpu.wait_dma2 semaphore(%run_scoped3A : memref<!tpu.dma_semaphore, #tpu.memory_space<semaphore_mem>>) src(%arg2 : memref<1048576xf32, #tpu.memory_space<hbm>>) dst(%arg5 : memref<1048576xf32, #tpu.memory_space<vmem_shared>>)
        tpu.yield
      }) : () -> ()
    } else {
    }
    %barrier3A = arith.constant 0 : index
    tpu.barrier barrier_id(%barrier3A)
    %scan3A = arith.constant 0 : i32
    %scan3A_3 = arith.constant 0 : i32
    %scan3A_4 = arith.constant 32 : i32
    %scan3A_5 = arith.addi %scan3A_3, %scan3A_4 : i32
    %scan3A_6 = arith.constant 1 : i32
    scf.for %scan3A_10 = %scan3A_3 to %scan3A_5 step %scan3A_6  : i32 {
      %mul3A_11 = arith.constant 32 : i32
      %mul3A_12 = arith.muli %add3A, %mul3A_11 : i32
      %add3A_13 = arith.addi %mul3A_12, %scan3A_10 : i32
      "tpu.region"() ({
        %run_scoped3A = tpu.sem_alloc : memref<!tpu.dma_semaphore, #tpu.memory_space<semaphore_mem>>
        %dma_start3A_837 = arith.constant 0 : i32
        %dma_start3A_838 = tpu.memref_slice %arg3[%add3A_13, %dma_start3A_837] : memref<1024x3200xi32, #tpu.memory_space<hbm>> -> memref<1x3200xi32, #tpu.memory_space<hbm>>
        %dma_start3A_839 = tpu.memref_squeeze %dma_start3A_838 : memref<1x3200xi32, #tpu.memory_space<hbm>> -> memref<3200xi32, #tpu.memory_space<hbm>>
        %dma_start3A_840 = arith.constant 0 : i32
        %dma_start3A_841 = tpu.memref_slice %arg3[%add3A_13, %dma_start3A_840] : memref<1024x3200xi32, #tpu.memory_space<hbm>> -> memref<1x3200xi32, #tpu.memory_space<hbm>>
        %dma_start3A_842 = tpu.memref_squeeze %dma_start3A_841 : memref<1x3200xi32, #tpu.memory_space<hbm>> -> memref<3200xi32, #tpu.memory_space<hbm>>
        tpu.enqueue_dma source(%dma_start3A_842 : memref<3200xi32, #tpu.memory_space<hbm>>) target(%arg6 : memref<3200xi32, #tpu.memory_space<vmem>>) target_semaphore(%run_scoped3A : memref<!tpu.dma_semaphore, #tpu.memory_space<semaphore_mem>>)
        %dma_wait3A_843 = arith.constant 0 : i32
        %dma_wait3A_844 = tpu.memref_slice %arg3[%add3A_13, %dma_wait3A_843] : memref<1024x3200xi32, #tpu.memory_space<hbm>> -> memref<1x3200xi32, #tpu.memory_space<hbm>>
        %dma_wait3A_845 = tpu.memref_squeeze %dma_wait3A_844 : memref<1x3200xi32, #tpu.memory_space<hbm>> -> memref<3200xi32, #tpu.memory_space<hbm>>
        %dma_wait3A_846 = arith.constant 0 : i32
        %dma_wait3A_847 = tpu.memref_slice %arg3[%add3A_13, %dma_wait3A_846] : memref<1024x3200xi32, #tpu.memory_space<hbm>> -> memref<1x3200xi32, #tpu.memory_space<hbm>>
        %dma_wait3A_848 = tpu.memref_squeeze %dma_wait3A_847 : memref<1x3200xi32, #tpu.memory_space<hbm>> -> memref<3200xi32, #tpu.memory_space<hbm>>
        tpu.wait_dma2 semaphore(%run_scoped3A : memref<!tpu.dma_semaphore, #tpu.memory_space<semaphore_mem>>) src(%dma_wait3A_848 : memref<3200xi32, #tpu.memory_space<hbm>>) dst(%arg6 : memref<3200xi32, #tpu.memory_space<vmem>>)
        tpu.yield
      }) : () -> ()
      %dma_start3A = arith.constant 0 : i32
      %dma_start3A_14 = tpu.memref_slice %arg5[%dma_start3A] : memref<1048576xf32, #tpu.memory_space<vmem_shared>> -> memref<1048576xf32, #tpu.memory_space<vmem_shared>>
      tpu.enqueue_indirect_dma source(%dma_start3A_14 : memref<1048576xf32, #tpu.memory_space<vmem_shared>>) target(%arg7 : memref<3200xf32, #tpu.memory_space<vmem>>) offsets(%arg6 : memref<3200xi32, #tpu.memory_space<vmem>>) semaphore(%arg9 : memref<!tpu.dma_semaphore, #tpu.memory_space<semaphore_mem>>)
      %dma_wait3A = arith.constant 0 : i32
      %dma_wait3A_15 = tpu.memref_slice %arg5[%dma_wait3A] : memref<1048576xf32, #tpu.memory_space<vmem_shared>> -> memref<1048576xf32, #tpu.memory_space<vmem_shared>>
      tpu.wait_indirect_dma semaphore(%arg9 : memref<!tpu.dma_semaphore, #tpu.memory_space<semaphore_mem>>) src(%dma_wait3A_15 : memref<1048576xf32, #tpu.memory_space<vmem_shared>>) dst(%arg7 : memref<3200xf32, #tpu.memory_space<vmem>>)
      %broadcast_in_dim3A = arith.constant 0.000000e+00 : f32
      %broadcast_in_dim3A_16 = vector.broadcast %broadcast_in_dim3A : f32 to vector<16xf32>
      %broadcast_in_dim3A_17 = arith.constant 0.000000e+00 : f32
      %broadcast_in_dim3A_18 = vector.broadcast %broadcast_in_dim3A_17 : f32 to vector<16xf32>
      %broadcast_in_dim3A_19 = arith.constant 0.000000e+00 : f32
      %broadcast_in_dim3A_20 = vector.broadcast %broadcast_in_dim3A_19 : f32 to vector<16xf32>
      %broadcast_in_dim3A_21 = arith.constant 0.000000e+00 : f32
      %broadcast_in_dim3A_22 = vector.broadcast %broadcast_in_dim3A_21 : f32 to vector<16xf32>
      %get3A = arith.constant 0 : index
      %get3A_23 = tpu.vector_load %arg7[%get3A] {strides = array<i32>} : memref<3200xf32, #tpu.memory_space<vmem>>, vector<16xf32>,
      %get3A_24 = vector.shape_cast %get3A_23 : vector<16xf32> to vector<16xf32>
      %add3A_25 = arith.addf %broadcast_in_dim3A_16, %get3A_24 : vector<16xf32>
      %get3A_26 = arith.constant 16 : index
      %get3A_27 = tpu.vector_load %arg7[%get3A_26] {strides = array<i32>} : memref<3200xf32, #tpu.memory_space<vmem>>, vector<16xf32>,
      %get3A_28 = vector.shape_cast %get3A_27 : vector<16xf32> to vector<16xf32>
      %add3A_29 = arith.addf %broadcast_in_dim3A_18, %get3A_28 : vector<16xf32>
      %get3A_30 = arith.constant 32 : index
      %get3A_31 = tpu.vector_load %arg7[%get3A_30] {strides = array<i32>} : memref<3200xf32, #tpu.memory_space<vmem>>, vector<16xf32>,
      %get3A_32 = vector.shape_cast %get3A_31 : vector<16xf32> to vector<16xf32>
      %add3A_33 = arith.addf %broadcast_in_dim3A_20, %get3A_32 : vector<16xf32>
      %get3A_34 = arith.constant 48 : index
      %get3A_35 = tpu.vector_load %arg7[%get3A_34] {strides = array<i32>} : memref<3200xf32, #tpu.memory_space<vmem>>, vector<16xf32>,
      %get3A_36 = vector.shape_cast %get3A_35 : vector<16xf32> to vector<16xf32>
      %add3A_37 = arith.addf %broadcast_in_dim3A_22, %get3A_36 : vector<16xf32>
      %get3A_38 = arith.constant 64 : index
      %get3A_39 = tpu.vector_load %arg7[%get3A_38] {strides = array<i32>} : memref<3200xf32, #tpu.memory_space<vmem>>, vector<16xf32>,
      %get3A_40 = vector.shape_cast %get3A_39 : vector<16xf32> to vector<16xf32>
      %add3A_41 = arith.addf %add3A_25, %get3A_40 : vector<16xf32>
      %get3A_42 = arith.constant 80 : index
      %get3A_43 = tpu.vector_load %arg7[%get3A_42] {strides = array<i32>} : memref<3200xf32, #tpu.memory_space<vmem>>, vector<16xf32>,
      %get3A_44 = vector.shape_cast %get3A_43 : vector<16xf32> to vector<16xf32>
      %add3A_45 = arith.addf %add3A_29, %get3A_44 : vector<16xf32>
      %get3A_46 = arith.constant 96 : index
      %get3A_47 = tpu.vector_load %arg7[%get3A_46] {strides = array<i32>} : memref<3200xf32, #tpu.memory_space<vmem>>, vector<16xf32>,
      %get3A_48 = vector.shape_cast %get3A_47 : vector<16xf32> to vector<16xf32>
      %add3A_49 = arith.addf %add3A_33, %get3A_48 : vector<16xf32>
      %get3A_50 = arith.constant 112 : index
      %get3A_51 = tpu.vector_load %arg7[%get3A_50] {strides = array<i32>} : memref<3200xf32, #tpu.memory_space<vmem>>, vector<16xf32>,
      %get3A_52 = vector.shape_cast %get3A_51 : vector<16xf32> to vector<16xf32>
      %add3A_53 = arith.addf %add3A_37, %get3A_52 : vector<16xf32>
      %get3A_54 = arith.constant 128 : index
      %get3A_55 = tpu.vector_load %arg7[%get3A_54] {strides = array<i32>} : memref<3200xf32, #tpu.memory_space<vmem>>, vector<16xf32>,
      %get3A_56 = vector.shape_cast %get3A_55 : vector<16xf32> to vector<16xf32>
      %add3A_57 = arith.addf %add3A_41, %get3A_56 : vector<16xf32>
      %get3A_58 = arith.constant 144 : index
      %get3A_59 = tpu.vector_load %arg7[%get3A_58] {strides = array<i32>} : memref<3200xf32, #tpu.memory_space<vmem>>, vector<16xf32>,
      %get3A_60 = vector.shape_cast %get3A_59 : vector<16xf32> to vector<16xf32>
      %add3A_61 = arith.addf %add3A_45, %get3A_60 : vector<16xf32>
      %get3A_62 = arith.constant 160 : index
      %get3A_63 = tpu.vector_load %arg7[%get3A_62] {strides = array<i32>} : memref<3200xf32, #tpu.memory_space<vmem>>, vector<16xf32>,
      %get3A_64 = vector.shape_cast %get3A_63 : vector<16xf32> to vector<16xf32>
      %add3A_65 = arith.addf %add3A_49, %get3A_64 : vector<16xf32>
      %get3A_66 = arith.constant 176 : index
      %get3A_67 = tpu.vector_load %arg7[%get3A_66] {strides = array<i32>} : memref<3200xf32, #tpu.memory_space<vmem>>, vector<16xf32>,
      %get3A_68 = vector.shape_cast %get3A_67 : vector<16xf32> to vector<16xf32>
      %add3A_69 = arith.addf %add3A_53, %get3A_68 : vector<16xf32>
      %get3A_70 = arith.constant 192 : index
      %get3A_71 = tpu.vector_load %arg7[%get3A_70] {strides = array<i32>} : memref<3200xf32, #tpu.memory_space<vmem>>, vector<16xf32>,
      %get3A_72 = vector.shape_cast %get3A_71 : vector<16xf32> to vector<16xf32>
      %add3A_73 = arith.addf %add3A_57, %get3A_72 : vector<16xf32>
      %get3A_74 = arith.constant 208 : index
      %get3A_75 = tpu.vector_load %arg7[%get3A_74] {strides = array<i32>} : memref<3200xf32, #tpu.memory_space<vmem>>, vector<16xf32>,
      %get3A_76 = vector.shape_cast %get3A_75 : vector<16xf32> to vector<16xf32>
      %add3A_77 = arith.addf %add3A_61, %get3A_76 : vector<16xf32>
      %get3A_78 = arith.constant 224 : index
      %get3A_79 = tpu.vector_load %arg7[%get3A_78] {strides = array<i32>} : memref<3200xf32, #tpu.memory_space<vmem>>, vector<16xf32>,
      %get3A_80 = vector.shape_cast %get3A_79 : vector<16xf32> to vector<16xf32>
      %add3A_81 = arith.addf %add3A_65, %get3A_80 : vector<16xf32>
      %get3A_82 = arith.constant 240 : index
      %get3A_83 = tpu.vector_load %arg7[%get3A_82] {strides = array<i32>} : memref<3200xf32, #tpu.memory_space<vmem>>, vector<16xf32>,
      %get3A_84 = vector.shape_cast %get3A_83 : vector<16xf32> to vector<16xf32>
      %add3A_85 = arith.addf %add3A_69, %get3A_84 : vector<16xf32>
      %get3A_86 = arith.constant 256 : index
      %get3A_87 = tpu.vector_load %arg7[%get3A_86] {strides = array<i32>} : memref<3200xf32, #tpu.memory_space<vmem>>, vector<16xf32>,
      %get3A_88 = vector.shape_cast %get3A_87 : vector<16xf32> to vector<16xf32>
      %add3A_89 = arith.addf %add3A_73, %get3A_88 : vector<16xf32>
      %get3A_90 = arith.constant 272 : index
      %get3A_91 = tpu.vector_load %arg7[%get3A_90] {strides = array<i32>} : memref<3200xf32, #tpu.memory_space<vmem>>, vector<16xf32>,
      %get3A_92 = vector.shape_cast %get3A_91 : vector<16xf32> to vector<16xf32>
      %add3A_93 = arith.addf %add3A_77, %get3A_92 : vector<16xf32>
      %get3A_94 = arith.constant 288 : index
      %get3A_95 = tpu.vector_load %arg7[%get3A_94] {strides = array<i32>} : memref<3200xf32, #tpu.memory_space<vmem>>, vector<16xf32>,
      %get3A_96 = vector.shape_cast %get3A_95 : vector<16xf32> to vector<16xf32>
      %add3A_97 = arith.addf %add3A_81, %get3A_96 : vector<16xf32>
      %get3A_98 = arith.constant 304 : index
      %get3A_99 = tpu.vector_load %arg7[%get3A_98] {strides = array<i32>} : memref<3200xf32, #tpu.memory_space<vmem>>, vector<16xf32>,
      %get3A_100 = vector.shape_cast %get3A_99 : vector<16xf32> to vector<16xf32>
      %add3A_101 = arith.addf %add3A_85, %get3A_100 : vector<16xf32>
      %get3A_102 = arith.constant 320 : index
      %get3A_103 = tpu.vector_load %arg7[%get3A_102] {strides = array<i32>} : memref<3200xf32, #tpu.memory_space<vmem>>, vector<16xf32>,
      %get3A_104 = vector.shape_cast %get3A_103 : vector<16xf32> to vector<16xf32>
      %add3A_105 = arith.addf %add3A_89, %get3A_104 : vector<16xf32>
      %get3A_106 = arith.constant 336 : index
      %get3A_107 = tpu.vector_load %arg7[%get3A_106] {strides = array<i32>} : memref<3200xf32, #tpu.memory_space<vmem>>, vector<16xf32>,
      %get3A_108 = vector.shape_cast %get3A_107 : vector<16xf32> to vector<16xf32>
      %add3A_109 = arith.addf %add3A_93, %get3A_108 : vector<16xf32>
      %get3A_110 = arith.constant 352 : index
      %get3A_111 = tpu.vector_load %arg7[%get3A_110] {strides = array<i32>} : memref<3200xf32, #tpu.memory_space<vmem>>, vector<16xf32>,
      %get3A_112 = vector.shape_cast %get3A_111 : vector<16xf32> to vector<16xf32>
      %add3A_113 = arith.addf %add3A_97, %get3A_112 : vector<16xf32>
      %get3A_114 = arith.constant 368 : index
      %get3A_115 = tpu.vector_load %arg7[%get3A_114] {strides = array<i32>} : memref<3200xf32, #tpu.memory_space<vmem>>, vector<16xf32>,
      %get3A_116 = vector.shape_cast %get3A_115 : vector<16xf32> to vector<16xf32>
      %add3A_117 = arith.addf %add3A_101, %get3A_116 : vector<16xf32>
      %get3A_118 = arith.constant 384 : index
      %get3A_119 = tpu.vector_load %arg7[%get3A_118] {strides = array<i32>} : memref<3200xf32, #tpu.memory_space<vmem>>, vector<16xf32>,
      %get3A_120 = vector.shape_cast %get3A_119 : vector<16xf32> to vector<16xf32>
      %add3A_121 = arith.addf %add3A_105, %get3A_120 : vector<16xf32>
      %get3A_122 = arith.constant 400 : index
      %get3A_123 = tpu.vector_load %arg7[%get3A_122] {strides = array<i32>} : memref<3200xf32, #tpu.memory_space<vmem>>, vector<16xf32>,
      %get3A_124 = vector.shape_cast %get3A_123 : vector<16xf32> to vector<16xf32>
      %add3A_125 = arith.addf %add3A_109, %get3A_124 : vector<16xf32>
      %get3A_126 = arith.constant 416 : index
      %get3A_127 = tpu.vector_load %arg7[%get3A_126] {strides = array<i32>} : memref<3200xf32, #tpu.memory_space<vmem>>, vector<16xf32>,
      %get3A_128 = vector.shape_cast %get3A_127 : vector<16xf32> to vector<16xf32>
      %add3A_129 = arith.addf %add3A_113, %get3A_128 : vector<16xf32>
      %get3A_130 = arith.constant 432 : index
      %get3A_131 = tpu.vector_load %arg7[%get3A_130] {strides = array<i32>} : memref<3200xf32, #tpu.memory_space<vmem>>, vector<16xf32>,
      %get3A_132 = vector.shape_cast %get3A_131 : vector<16xf32> to vector<16xf32>
      %add3A_133 = arith.addf %add3A_117, %get3A_132 : vector<16xf32>
      %get3A_134 = arith.constant 448 : index
      %get3A_135 = tpu.vector_load %arg7[%get3A_134] {strides = array<i32>} : memref<3200xf32, #tpu.memory_space<vmem>>, vector<16xf32>,
      %get3A_136 = vector.shape_cast %get3A_135 : vector<16xf32> to vector<16xf32>
      %add3A_137 = arith.addf %add3A_121, %get3A_136 : vector<16xf32>
      %get3A_138 = arith.constant 464 : index
      %get3A_139 = tpu.vector_load %arg7[%get3A_138] {strides = array<i32>} : memref<3200xf32, #tpu.memory_space<vmem>>, vector<16xf32>,
      %get3A_140 = vector.shape_cast %get3A_139 : vector<16xf32> to vector<16xf32>
      %add3A_141 = arith.addf %add3A_125, %get3A_140 : vector<16xf32>
      %get3A_142 = arith.constant 480 : index
      %get3A_143 = tpu.vector_load %arg7[%get3A_142] {strides = array<i32>} : memref<3200xf32, #tpu.memory_space<vmem>>, vector<16xf32>,
      %get3A_144 = vector.shape_cast %get3A_143 : vector<16xf32> to vector<16xf32>
      %add3A_145 = arith.addf %add3A_129, %get3A_144 : vector<16xf32>
      %get3A_146 = arith.constant 496 : index
      %get3A_147 = tpu.vector_load %arg7[%get3A_146] {strides = array<i32>} : memref<3200xf32, #tpu.memory_space<vmem>>, vector<16xf32>,
      %get3A_148 = vector.shape_cast %get3A_147 : vector<16xf32> to vector<16xf32>
      %add3A_149 = arith.addf %add3A_133, %get3A_148 : vector<16xf32>
      %get3A_150 = arith.constant 512 : index
      %get3A_151 = tpu.vector_load %arg7[%get3A_150] {strides = array<i32>} : memref<3200xf32, #tpu.memory_space<vmem>>, vector<16xf32>,
      %get3A_152 = vector.shape_cast %get3A_151 : vector<16xf32> to vector<16xf32>
      %add3A_153 = arith.addf %add3A_137, %get3A_152 : vector<16xf32>
      %get3A_154 = arith.constant 528 : index
      %get3A_155 = tpu.vector_load %arg7[%get3A_154] {strides = array<i32>} : memref<3200xf32, #tpu.memory_space<vmem>>, vector<16xf32>,
      %get3A_156 = vector.shape_cast %get3A_155 : vector<16xf32> to vector<16xf32>
      %add3A_157 = arith.addf %add3A_141, %get3A_156 : vector<16xf32>
      %get3A_158 = arith.constant 544 : index
      %get3A_159 = tpu.vector_load %arg7[%get3A_158] {strides = array<i32>} : memref<3200xf32, #tpu.memory_space<vmem>>, vector<16xf32>,
      %get3A_160 = vector.shape_cast %get3A_159 : vector<16xf32> to vector<16xf32>
      %add3A_161 = arith.addf %add3A_145, %get3A_160 : vector<16xf32>
      %get3A_162 = arith.constant 560 : index
      %get3A_163 = tpu.vector_load %arg7[%get3A_162] {strides = array<i32>} : memref<3200xf32, #tpu.memory_space<vmem>>, vector<16xf32>,
      %get3A_164 = vector.shape_cast %get3A_163 : vector<16xf32> to vector<16xf32>
      %add3A_165 = arith.addf %add3A_149, %get3A_164 : vector<16xf32>
      %get3A_166 = arith.constant 576 : index
      %get3A_167 = tpu.vector_load %arg7[%get3A_166] {strides = array<i32>} : memref<3200xf32, #tpu.memory_space<vmem>>, vector<16xf32>,
      %get3A_168 = vector.shape_cast %get3A_167 : vector<16xf32> to vector<16xf32>
      %add3A_169 = arith.addf %add3A_153, %get3A_168 : vector<16xf32>
      %get3A_170 = arith.constant 592 : index
      %get3A_171 = tpu.vector_load %arg7[%get3A_170] {strides = array<i32>} : memref<3200xf32, #tpu.memory_space<vmem>>, vector<16xf32>,
      %get3A_172 = vector.shape_cast %get3A_171 : vector<16xf32> to vector<16xf32>
      %add3A_173 = arith.addf %add3A_157, %get3A_172 : vector<16xf32>
      %get3A_174 = arith.constant 608 : index
      %get3A_175 = tpu.vector_load %arg7[%get3A_174] {strides = array<i32>} : memref<3200xf32, #tpu.memory_space<vmem>>, vector<16xf32>,
      %get3A_176 = vector.shape_cast %get3A_175 : vector<16xf32> to vector<16xf32>
      %add3A_177 = arith.addf %add3A_161, %get3A_176 : vector<16xf32>
      %get3A_178 = arith.constant 624 : index
      %get3A_179 = tpu.vector_load %arg7[%get3A_178] {strides = array<i32>} : memref<3200xf32, #tpu.memory_space<vmem>>, vector<16xf32>,
      %get3A_180 = vector.shape_cast %get3A_179 : vector<16xf32> to vector<16xf32>
      %add3A_181 = arith.addf %add3A_165, %get3A_180 : vector<16xf32>
      %get3A_182 = arith.constant 640 : index
      %get3A_183 = tpu.vector_load %arg7[%get3A_182] {strides = array<i32>} : memref<3200xf32, #tpu.memory_space<vmem>>, vector<16xf32>,
      %get3A_184 = vector.shape_cast %get3A_183 : vector<16xf32> to vector<16xf32>
      %add3A_185 = arith.addf %add3A_169, %get3A_184 : vector<16xf32>
      %get3A_186 = arith.constant 656 : index
      %get3A_187 = tpu.vector_load %arg7[%get3A_186] {strides = array<i32>} : memref<3200xf32, #tpu.memory_space<vmem>>, vector<16xf32>,
      %get3A_188 = vector.shape_cast %get3A_187 : vector<16xf32> to vector<16xf32>
      %add3A_189 = arith.addf %add3A_173, %get3A_188 : vector<16xf32>
      %get3A_190 = arith.constant 672 : index
      %get3A_191 = tpu.vector_load %arg7[%get3A_190] {strides = array<i32>} : memref<3200xf32, #tpu.memory_space<vmem>>, vector<16xf32>,
      %get3A_192 = vector.shape_cast %get3A_191 : vector<16xf32> to vector<16xf32>
      %add3A_193 = arith.addf %add3A_177, %get3A_192 : vector<16xf32>
      %get3A_194 = arith.constant 688 : index
      %get3A_195 = tpu.vector_load %arg7[%get3A_194] {strides = array<i32>} : memref<3200xf32, #tpu.memory_space<vmem>>, vector<16xf32>,
      %get3A_196 = vector.shape_cast %get3A_195 : vector<16xf32> to vector<16xf32>
      %add3A_197 = arith.addf %add3A_181, %get3A_196 : vector<16xf32>
      %get3A_198 = arith.constant 704 : index
      %get3A_199 = tpu.vector_load %arg7[%get3A_198] {strides = array<i32>} : memref<3200xf32, #tpu.memory_space<vmem>>, vector<16xf32>,
      %get3A_200 = vector.shape_cast %get3A_199 : vector<16xf32> to vector<16xf32>
      %add3A_201 = arith.addf %add3A_185, %get3A_200 : vector<16xf32>
      %get3A_202 = arith.constant 720 : index
      %get3A_203 = tpu.vector_load %arg7[%get3A_202] {strides = array<i32>} : memref<3200xf32, #tpu.memory_space<vmem>>, vector<16xf32>,
      %get3A_204 = vector.shape_cast %get3A_203 : vector<16xf32> to vector<16xf32>
      %add3A_205 = arith.addf %add3A_189, %get3A_204 : vector<16xf32>
      %get3A_206 = arith.constant 736 : index
      %get3A_207 = tpu.vector_load %arg7[%get3A_206] {strides = array<i32>} : memref<3200xf32, #tpu.memory_space<vmem>>, vector<16xf32>,
      %get3A_208 = vector.shape_cast %get3A_207 : vector<16xf32> to vector<16xf32>
      %add3A_209 = arith.addf %add3A_193, %get3A_208 : vector<16xf32>
      %get3A_210 = arith.constant 752 : index
      %get3A_211 = tpu.vector_load %arg7[%get3A_210] {strides = array<i32>} : memref<3200xf32, #tpu.memory_space<vmem>>, vector<16xf32>,
      %get3A_212 = vector.shape_cast %get3A_211 : vector<16xf32> to vector<16xf32>
      %add3A_213 = arith.addf %add3A_197, %get3A_212 : vector<16xf32>
      %get3A_214 = arith.constant 768 : index
      %get3A_215 = tpu.vector_load %arg7[%get3A_214] {strides = array<i32>} : memref<3200xf32, #tpu.memory_space<vmem>>, vector<16xf32>,
      %get3A_216 = vector.shape_cast %get3A_215 : vector<16xf32> to vector<16xf32>
      %add3A_217 = arith.addf %add3A_201, %get3A_216 : vector<16xf32>
      %get3A_218 = arith.constant 784 : index
      %get3A_219 = tpu.vector_load %arg7[%get3A_218] {strides = array<i32>} : memref<3200xf32, #tpu.memory_space<vmem>>, vector<16xf32>,
      %get3A_220 = vector.shape_cast %get3A_219 : vector<16xf32> to vector<16xf32>
      %add3A_221 = arith.addf %add3A_205, %get3A_220 : vector<16xf32>
      %get3A_222 = arith.constant 800 : index
      %get3A_223 = tpu.vector_load %arg7[%get3A_222] {strides = array<i32>} : memref<3200xf32, #tpu.memory_space<vmem>>, vector<16xf32>,
      %get3A_224 = vector.shape_cast %get3A_223 : vector<16xf32> to vector<16xf32>
      %add3A_225 = arith.addf %add3A_209, %get3A_224 : vector<16xf32>
      %get3A_226 = arith.constant 816 : index
      %get3A_227 = tpu.vector_load %arg7[%get3A_226] {strides = array<i32>} : memref<3200xf32, #tpu.memory_space<vmem>>, vector<16xf32>,
      %get3A_228 = vector.shape_cast %get3A_227 : vector<16xf32> to vector<16xf32>
      %add3A_229 = arith.addf %add3A_213, %get3A_228 : vector<16xf32>
      %get3A_230 = arith.constant 832 : index
      %get3A_231 = tpu.vector_load %arg7[%get3A_230] {strides = array<i32>} : memref<3200xf32, #tpu.memory_space<vmem>>, vector<16xf32>,
      %get3A_232 = vector.shape_cast %get3A_231 : vector<16xf32> to vector<16xf32>
      %add3A_233 = arith.addf %add3A_217, %get3A_232 : vector<16xf32>
      %get3A_234 = arith.constant 848 : index
      %get3A_235 = tpu.vector_load %arg7[%get3A_234] {strides = array<i32>} : memref<3200xf32, #tpu.memory_space<vmem>>, vector<16xf32>,
      %get3A_236 = vector.shape_cast %get3A_235 : vector<16xf32> to vector<16xf32>
      %add3A_237 = arith.addf %add3A_221, %get3A_236 : vector<16xf32>
      %get3A_238 = arith.constant 864 : index
      %get3A_239 = tpu.vector_load %arg7[%get3A_238] {strides = array<i32>} : memref<3200xf32, #tpu.memory_space<vmem>>, vector<16xf32>,
      %get3A_240 = vector.shape_cast %get3A_239 : vector<16xf32> to vector<16xf32>
      %add3A_241 = arith.addf %add3A_225, %get3A_240 : vector<16xf32>
      %get3A_242 = arith.constant 880 : index
      %get3A_243 = tpu.vector_load %arg7[%get3A_242] {strides = array<i32>} : memref<3200xf32, #tpu.memory_space<vmem>>, vector<16xf32>,
      %get3A_244 = vector.shape_cast %get3A_243 : vector<16xf32> to vector<16xf32>
      %add3A_245 = arith.addf %add3A_229, %get3A_244 : vector<16xf32>
      %get3A_246 = arith.constant 896 : index
      %get3A_247 = tpu.vector_load %arg7[%get3A_246] {strides = array<i32>} : memref<3200xf32, #tpu.memory_space<vmem>>, vector<16xf32>,
      %get3A_248 = vector.shape_cast %get3A_247 : vector<16xf32> to vector<16xf32>
      %add3A_249 = arith.addf %add3A_233, %get3A_248 : vector<16xf32>
      %get3A_250 = arith.constant 912 : index
      %get3A_251 = tpu.vector_load %arg7[%get3A_250] {strides = array<i32>} : memref<3200xf32, #tpu.memory_space<vmem>>, vector<16xf32>,
      %get3A_252 = vector.shape_cast %get3A_251 : vector<16xf32> to vector<16xf32>
      %add3A_253 = arith.addf %add3A_237, %get3A_252 : vector<16xf32>
      %get3A_254 = arith.constant 928 : index
      %get3A_255 = tpu.vector_load %arg7[%get3A_254] {strides = array<i32>} : memref<3200xf32, #tpu.memory_space<vmem>>, vector<16xf32>,
      %get3A_256 = vector.shape_cast %get3A_255 : vector<16xf32> to vector<16xf32>
      %add3A_257 = arith.addf %add3A_241, %get3A_256 : vector<16xf32>
      %get3A_258 = arith.constant 944 : index
      %get3A_259 = tpu.vector_load %arg7[%get3A_258] {strides = array<i32>} : memref<3200xf32, #tpu.memory_space<vmem>>, vector<16xf32>,
      %get3A_260 = vector.shape_cast %get3A_259 : vector<16xf32> to vector<16xf32>
      %add3A_261 = arith.addf %add3A_245, %get3A_260 : vector<16xf32>
      %get3A_262 = arith.constant 960 : index
      %get3A_263 = tpu.vector_load %arg7[%get3A_262] {strides = array<i32>} : memref<3200xf32, #tpu.memory_space<vmem>>, vector<16xf32>,
      %get3A_264 = vector.shape_cast %get3A_263 : vector<16xf32> to vector<16xf32>
      %add3A_265 = arith.addf %add3A_249, %get3A_264 : vector<16xf32>
      %get3A_266 = arith.constant 976 : index
      %get3A_267 = tpu.vector_load %arg7[%get3A_266] {strides = array<i32>} : memref<3200xf32, #tpu.memory_space<vmem>>, vector<16xf32>,
      %get3A_268 = vector.shape_cast %get3A_267 : vector<16xf32> to vector<16xf32>
      %add3A_269 = arith.addf %add3A_253, %get3A_268 : vector<16xf32>
      %get3A_270 = arith.constant 992 : index
      %get3A_271 = tpu.vector_load %arg7[%get3A_270] {strides = array<i32>} : memref<3200xf32, #tpu.memory_space<vmem>>, vector<16xf32>,
      %get3A_272 = vector.shape_cast %get3A_271 : vector<16xf32> to vector<16xf32>
      %add3A_273 = arith.addf %add3A_257, %get3A_272 : vector<16xf32>
      %get3A_274 = arith.constant 1008 : index
      %get3A_275 = tpu.vector_load %arg7[%get3A_274] {strides = array<i32>} : memref<3200xf32, #tpu.memory_space<vmem>>, vector<16xf32>,
      %get3A_276 = vector.shape_cast %get3A_275 : vector<16xf32> to vector<16xf32>
      %add3A_277 = arith.addf %add3A_261, %get3A_276 : vector<16xf32>
      %get3A_278 = arith.constant 1024 : index
      %get3A_279 = tpu.vector_load %arg7[%get3A_278] {strides = array<i32>} : memref<3200xf32, #tpu.memory_space<vmem>>, vector<16xf32>,
      %get3A_280 = vector.shape_cast %get3A_279 : vector<16xf32> to vector<16xf32>
      %add3A_281 = arith.addf %add3A_265, %get3A_280 : vector<16xf32>
      %get3A_282 = arith.constant 1040 : index
      %get3A_283 = tpu.vector_load %arg7[%get3A_282] {strides = array<i32>} : memref<3200xf32, #tpu.memory_space<vmem>>, vector<16xf32>,
      %get3A_284 = vector.shape_cast %get3A_283 : vector<16xf32> to vector<16xf32>
      %add3A_285 = arith.addf %add3A_269, %get3A_284 : vector<16xf32>
      %get3A_286 = arith.constant 1056 : index
      %get3A_287 = tpu.vector_load %arg7[%get3A_286] {strides = array<i32>} : memref<3200xf32, #tpu.memory_space<vmem>>, vector<16xf32>,
      %get3A_288 = vector.shape_cast %get3A_287 : vector<16xf32> to vector<16xf32>
      %add3A_289 = arith.addf %add3A_273, %get3A_288 : vector<16xf32>
      %get3A_290 = arith.constant 1072 : index
      %get3A_291 = tpu.vector_load %arg7[%get3A_290] {strides = array<i32>} : memref<3200xf32, #tpu.memory_space<vmem>>, vector<16xf32>,
      %get3A_292 = vector.shape_cast %get3A_291 : vector<16xf32> to vector<16xf32>
      %add3A_293 = arith.addf %add3A_277, %get3A_292 : vector<16xf32>
      %get3A_294 = arith.constant 1088 : index
      %get3A_295 = tpu.vector_load %arg7[%get3A_294] {strides = array<i32>} : memref<3200xf32, #tpu.memory_space<vmem>>, vector<16xf32>,
      %get3A_296 = vector.shape_cast %get3A_295 : vector<16xf32> to vector<16xf32>
      %add3A_297 = arith.addf %add3A_281, %get3A_296 : vector<16xf32>
      %get3A_298 = arith.constant 1104 : index
      %get3A_299 = tpu.vector_load %arg7[%get3A_298] {strides = array<i32>} : memref<3200xf32, #tpu.memory_space<vmem>>, vector<16xf32>,
      %get3A_300 = vector.shape_cast %get3A_299 : vector<16xf32> to vector<16xf32>
      %add3A_301 = arith.addf %add3A_285, %get3A_300 : vector<16xf32>
      %get3A_302 = arith.constant 1120 : index
      %get3A_303 = tpu.vector_load %arg7[%get3A_302] {strides = array<i32>} : memref<3200xf32, #tpu.memory_space<vmem>>, vector<16xf32>,
      %get3A_304 = vector.shape_cast %get3A_303 : vector<16xf32> to vector<16xf32>
      %add3A_305 = arith.addf %add3A_289, %get3A_304 : vector<16xf32>
      %get3A_306 = arith.constant 1136 : index
      %get3A_307 = tpu.vector_load %arg7[%get3A_306] {strides = array<i32>} : memref<3200xf32, #tpu.memory_space<vmem>>, vector<16xf32>,
      %get3A_308 = vector.shape_cast %get3A_307 : vector<16xf32> to vector<16xf32>
      %add3A_309 = arith.addf %add3A_293, %get3A_308 : vector<16xf32>
      %get3A_310 = arith.constant 1152 : index
      %get3A_311 = tpu.vector_load %arg7[%get3A_310] {strides = array<i32>} : memref<3200xf32, #tpu.memory_space<vmem>>, vector<16xf32>,
      %get3A_312 = vector.shape_cast %get3A_311 : vector<16xf32> to vector<16xf32>
      %add3A_313 = arith.addf %add3A_297, %get3A_312 : vector<16xf32>
      %get3A_314 = arith.constant 1168 : index
      %get3A_315 = tpu.vector_load %arg7[%get3A_314] {strides = array<i32>} : memref<3200xf32, #tpu.memory_space<vmem>>, vector<16xf32>,
      %get3A_316 = vector.shape_cast %get3A_315 : vector<16xf32> to vector<16xf32>
      %add3A_317 = arith.addf %add3A_301, %get3A_316 : vector<16xf32>
      %get3A_318 = arith.constant 1184 : index
      %get3A_319 = tpu.vector_load %arg7[%get3A_318] {strides = array<i32>} : memref<3200xf32, #tpu.memory_space<vmem>>, vector<16xf32>,
      %get3A_320 = vector.shape_cast %get3A_319 : vector<16xf32> to vector<16xf32>
      %add3A_321 = arith.addf %add3A_305, %get3A_320 : vector<16xf32>
      %get3A_322 = arith.constant 1200 : index
      %get3A_323 = tpu.vector_load %arg7[%get3A_322] {strides = array<i32>} : memref<3200xf32, #tpu.memory_space<vmem>>, vector<16xf32>,
      %get3A_324 = vector.shape_cast %get3A_323 : vector<16xf32> to vector<16xf32>
      %add3A_325 = arith.addf %add3A_309, %get3A_324 : vector<16xf32>
      %get3A_326 = arith.constant 1216 : index
      %get3A_327 = tpu.vector_load %arg7[%get3A_326] {strides = array<i32>} : memref<3200xf32, #tpu.memory_space<vmem>>, vector<16xf32>,
      %get3A_328 = vector.shape_cast %get3A_327 : vector<16xf32> to vector<16xf32>
      %add3A_329 = arith.addf %add3A_313, %get3A_328 : vector<16xf32>
      %get3A_330 = arith.constant 1232 : index
      %get3A_331 = tpu.vector_load %arg7[%get3A_330] {strides = array<i32>} : memref<3200xf32, #tpu.memory_space<vmem>>, vector<16xf32>,
      %get3A_332 = vector.shape_cast %get3A_331 : vector<16xf32> to vector<16xf32>
      %add3A_333 = arith.addf %add3A_317, %get3A_332 : vector<16xf32>
      %get3A_334 = arith.constant 1248 : index
      %get3A_335 = tpu.vector_load %arg7[%get3A_334] {strides = array<i32>} : memref<3200xf32, #tpu.memory_space<vmem>>, vector<16xf32>,
      %get3A_336 = vector.shape_cast %get3A_335 : vector<16xf32> to vector<16xf32>
      %add3A_337 = arith.addf %add3A_321, %get3A_336 : vector<16xf32>
      %get3A_338 = arith.constant 1264 : index
      %get3A_339 = tpu.vector_load %arg7[%get3A_338] {strides = array<i32>} : memref<3200xf32, #tpu.memory_space<vmem>>, vector<16xf32>,
      %get3A_340 = vector.shape_cast %get3A_339 : vector<16xf32> to vector<16xf32>
      %add3A_341 = arith.addf %add3A_325, %get3A_340 : vector<16xf32>
      %get3A_342 = arith.constant 1280 : index
      %get3A_343 = tpu.vector_load %arg7[%get3A_342] {strides = array<i32>} : memref<3200xf32, #tpu.memory_space<vmem>>, vector<16xf32>,
      %get3A_344 = vector.shape_cast %get3A_343 : vector<16xf32> to vector<16xf32>
      %add3A_345 = arith.addf %add3A_329, %get3A_344 : vector<16xf32>
      %get3A_346 = arith.constant 1296 : index
      %get3A_347 = tpu.vector_load %arg7[%get3A_346] {strides = array<i32>} : memref<3200xf32, #tpu.memory_space<vmem>>, vector<16xf32>,
      %get3A_348 = vector.shape_cast %get3A_347 : vector<16xf32> to vector<16xf32>
      %add3A_349 = arith.addf %add3A_333, %get3A_348 : vector<16xf32>
      %get3A_350 = arith.constant 1312 : index
      %get3A_351 = tpu.vector_load %arg7[%get3A_350] {strides = array<i32>} : memref<3200xf32, #tpu.memory_space<vmem>>, vector<16xf32>,
      %get3A_352 = vector.shape_cast %get3A_351 : vector<16xf32> to vector<16xf32>
      %add3A_353 = arith.addf %add3A_337, %get3A_352 : vector<16xf32>
      %get3A_354 = arith.constant 1328 : index
      %get3A_355 = tpu.vector_load %arg7[%get3A_354] {strides = array<i32>} : memref<3200xf32, #tpu.memory_space<vmem>>, vector<16xf32>,
      %get3A_356 = vector.shape_cast %get3A_355 : vector<16xf32> to vector<16xf32>
      %add3A_357 = arith.addf %add3A_341, %get3A_356 : vector<16xf32>
      %get3A_358 = arith.constant 1344 : index
      %get3A_359 = tpu.vector_load %arg7[%get3A_358] {strides = array<i32>} : memref<3200xf32, #tpu.memory_space<vmem>>, vector<16xf32>,
      %get3A_360 = vector.shape_cast %get3A_359 : vector<16xf32> to vector<16xf32>
      %add3A_361 = arith.addf %add3A_345, %get3A_360 : vector<16xf32>
      %get3A_362 = arith.constant 1360 : index
      %get3A_363 = tpu.vector_load %arg7[%get3A_362] {strides = array<i32>} : memref<3200xf32, #tpu.memory_space<vmem>>, vector<16xf32>,
      %get3A_364 = vector.shape_cast %get3A_363 : vector<16xf32> to vector<16xf32>
      %add3A_365 = arith.addf %add3A_349, %get3A_364 : vector<16xf32>
      %get3A_366 = arith.constant 1376 : index
      %get3A_367 = tpu.vector_load %arg7[%get3A_366] {strides = array<i32>} : memref<3200xf32, #tpu.memory_space<vmem>>, vector<16xf32>,
      %get3A_368 = vector.shape_cast %get3A_367 : vector<16xf32> to vector<16xf32>
      %add3A_369 = arith.addf %add3A_353, %get3A_368 : vector<16xf32>
      %get3A_370 = arith.constant 1392 : index
      %get3A_371 = tpu.vector_load %arg7[%get3A_370] {strides = array<i32>} : memref<3200xf32, #tpu.memory_space<vmem>>, vector<16xf32>,
      %get3A_372 = vector.shape_cast %get3A_371 : vector<16xf32> to vector<16xf32>
      %add3A_373 = arith.addf %add3A_357, %get3A_372 : vector<16xf32>
      %get3A_374 = arith.constant 1408 : index
      %get3A_375 = tpu.vector_load %arg7[%get3A_374] {strides = array<i32>} : memref<3200xf32, #tpu.memory_space<vmem>>, vector<16xf32>,
      %get3A_376 = vector.shape_cast %get3A_375 : vector<16xf32> to vector<16xf32>
      %add3A_377 = arith.addf %add3A_361, %get3A_376 : vector<16xf32>
      %get3A_378 = arith.constant 1424 : index
      %get3A_379 = tpu.vector_load %arg7[%get3A_378] {strides = array<i32>} : memref<3200xf32, #tpu.memory_space<vmem>>, vector<16xf32>,
      %get3A_380 = vector.shape_cast %get3A_379 : vector<16xf32> to vector<16xf32>
      %add3A_381 = arith.addf %add3A_365, %get3A_380 : vector<16xf32>
      %get3A_382 = arith.constant 1440 : index
      %get3A_383 = tpu.vector_load %arg7[%get3A_382] {strides = array<i32>} : memref<3200xf32, #tpu.memory_space<vmem>>, vector<16xf32>,
      %get3A_384 = vector.shape_cast %get3A_383 : vector<16xf32> to vector<16xf32>
      %add3A_385 = arith.addf %add3A_369, %get3A_384 : vector<16xf32>
      %get3A_386 = arith.constant 1456 : index
      %get3A_387 = tpu.vector_load %arg7[%get3A_386] {strides = array<i32>} : memref<3200xf32, #tpu.memory_space<vmem>>, vector<16xf32>,
      %get3A_388 = vector.shape_cast %get3A_387 : vector<16xf32> to vector<16xf32>
      %add3A_389 = arith.addf %add3A_373, %get3A_388 : vector<16xf32>
      %get3A_390 = arith.constant 1472 : index
      %get3A_391 = tpu.vector_load %arg7[%get3A_390] {strides = array<i32>} : memref<3200xf32, #tpu.memory_space<vmem>>, vector<16xf32>,
      %get3A_392 = vector.shape_cast %get3A_391 : vector<16xf32> to vector<16xf32>
      %add3A_393 = arith.addf %add3A_377, %get3A_392 : vector<16xf32>
      %get3A_394 = arith.constant 1488 : index
      %get3A_395 = tpu.vector_load %arg7[%get3A_394] {strides = array<i32>} : memref<3200xf32, #tpu.memory_space<vmem>>, vector<16xf32>,
      %get3A_396 = vector.shape_cast %get3A_395 : vector<16xf32> to vector<16xf32>
      %add3A_397 = arith.addf %add3A_381, %get3A_396 : vector<16xf32>
      %get3A_398 = arith.constant 1504 : index
      %get3A_399 = tpu.vector_load %arg7[%get3A_398] {strides = array<i32>} : memref<3200xf32, #tpu.memory_space<vmem>>, vector<16xf32>,
      %get3A_400 = vector.shape_cast %get3A_399 : vector<16xf32> to vector<16xf32>
      %add3A_401 = arith.addf %add3A_385, %get3A_400 : vector<16xf32>
      %get3A_402 = arith.constant 1520 : index
      %get3A_403 = tpu.vector_load %arg7[%get3A_402] {strides = array<i32>} : memref<3200xf32, #tpu.memory_space<vmem>>, vector<16xf32>,
      %get3A_404 = vector.shape_cast %get3A_403 : vector<16xf32> to vector<16xf32>
      %add3A_405 = arith.addf %add3A_389, %get3A_404 : vector<16xf32>
      %get3A_406 = arith.constant 1536 : index
      %get3A_407 = tpu.vector_load %arg7[%get3A_406] {strides = array<i32>} : memref<3200xf32, #tpu.memory_space<vmem>>, vector<16xf32>,
      %get3A_408 = vector.shape_cast %get3A_407 : vector<16xf32> to vector<16xf32>
      %add3A_409 = arith.addf %add3A_393, %get3A_408 : vector<16xf32>
      %get3A_410 = arith.constant 1552 : index
      %get3A_411 = tpu.vector_load %arg7[%get3A_410] {strides = array<i32>} : memref<3200xf32, #tpu.memory_space<vmem>>, vector<16xf32>,
      %get3A_412 = vector.shape_cast %get3A_411 : vector<16xf32> to vector<16xf32>
      %add3A_413 = arith.addf %add3A_397, %get3A_412 : vector<16xf32>
      %get3A_414 = arith.constant 1568 : index
      %get3A_415 = tpu.vector_load %arg7[%get3A_414] {strides = array<i32>} : memref<3200xf32, #tpu.memory_space<vmem>>, vector<16xf32>,
      %get3A_416 = vector.shape_cast %get3A_415 : vector<16xf32> to vector<16xf32>
      %add3A_417 = arith.addf %add3A_401, %get3A_416 : vector<16xf32>
      %get3A_418 = arith.constant 1584 : index
      %get3A_419 = tpu.vector_load %arg7[%get3A_418] {strides = array<i32>} : memref<3200xf32, #tpu.memory_space<vmem>>, vector<16xf32>,
      %get3A_420 = vector.shape_cast %get3A_419 : vector<16xf32> to vector<16xf32>
      %add3A_421 = arith.addf %add3A_405, %get3A_420 : vector<16xf32>
      %get3A_422 = arith.constant 1600 : index
      %get3A_423 = tpu.vector_load %arg7[%get3A_422] {strides = array<i32>} : memref<3200xf32, #tpu.memory_space<vmem>>, vector<16xf32>,
      %get3A_424 = vector.shape_cast %get3A_423 : vector<16xf32> to vector<16xf32>
      %add3A_425 = arith.addf %add3A_409, %get3A_424 : vector<16xf32>
      %get3A_426 = arith.constant 1616 : index
      %get3A_427 = tpu.vector_load %arg7[%get3A_426] {strides = array<i32>} : memref<3200xf32, #tpu.memory_space<vmem>>, vector<16xf32>,
      %get3A_428 = vector.shape_cast %get3A_427 : vector<16xf32> to vector<16xf32>
      %add3A_429 = arith.addf %add3A_413, %get3A_428 : vector<16xf32>
      %get3A_430 = arith.constant 1632 : index
      %get3A_431 = tpu.vector_load %arg7[%get3A_430] {strides = array<i32>} : memref<3200xf32, #tpu.memory_space<vmem>>, vector<16xf32>,
      %get3A_432 = vector.shape_cast %get3A_431 : vector<16xf32> to vector<16xf32>
      %add3A_433 = arith.addf %add3A_417, %get3A_432 : vector<16xf32>
      %get3A_434 = arith.constant 1648 : index
      %get3A_435 = tpu.vector_load %arg7[%get3A_434] {strides = array<i32>} : memref<3200xf32, #tpu.memory_space<vmem>>, vector<16xf32>,
      %get3A_436 = vector.shape_cast %get3A_435 : vector<16xf32> to vector<16xf32>
      %add3A_437 = arith.addf %add3A_421, %get3A_436 : vector<16xf32>
      %get3A_438 = arith.constant 1664 : index
      %get3A_439 = tpu.vector_load %arg7[%get3A_438] {strides = array<i32>} : memref<3200xf32, #tpu.memory_space<vmem>>, vector<16xf32>,
      %get3A_440 = vector.shape_cast %get3A_439 : vector<16xf32> to vector<16xf32>
      %add3A_441 = arith.addf %add3A_425, %get3A_440 : vector<16xf32>
      %get3A_442 = arith.constant 1680 : index
      %get3A_443 = tpu.vector_load %arg7[%get3A_442] {strides = array<i32>} : memref<3200xf32, #tpu.memory_space<vmem>>, vector<16xf32>,
      %get3A_444 = vector.shape_cast %get3A_443 : vector<16xf32> to vector<16xf32>
      %add3A_445 = arith.addf %add3A_429, %get3A_444 : vector<16xf32>
      %get3A_446 = arith.constant 1696 : index
      %get3A_447 = tpu.vector_load %arg7[%get3A_446] {strides = array<i32>} : memref<3200xf32, #tpu.memory_space<vmem>>, vector<16xf32>,
      %get3A_448 = vector.shape_cast %get3A_447 : vector<16xf32> to vector<16xf32>
      %add3A_449 = arith.addf %add3A_433, %get3A_448 : vector<16xf32>
      %get3A_450 = arith.constant 1712 : index
      %get3A_451 = tpu.vector_load %arg7[%get3A_450] {strides = array<i32>} : memref<3200xf32, #tpu.memory_space<vmem>>, vector<16xf32>,
      %get3A_452 = vector.shape_cast %get3A_451 : vector<16xf32> to vector<16xf32>
      %add3A_453 = arith.addf %add3A_437, %get3A_452 : vector<16xf32>
      %get3A_454 = arith.constant 1728 : index
      %get3A_455 = tpu.vector_load %arg7[%get3A_454] {strides = array<i32>} : memref<3200xf32, #tpu.memory_space<vmem>>, vector<16xf32>,
      %get3A_456 = vector.shape_cast %get3A_455 : vector<16xf32> to vector<16xf32>
      %add3A_457 = arith.addf %add3A_441, %get3A_456 : vector<16xf32>
      %get3A_458 = arith.constant 1744 : index
      %get3A_459 = tpu.vector_load %arg7[%get3A_458] {strides = array<i32>} : memref<3200xf32, #tpu.memory_space<vmem>>, vector<16xf32>,
      %get3A_460 = vector.shape_cast %get3A_459 : vector<16xf32> to vector<16xf32>
      %add3A_461 = arith.addf %add3A_445, %get3A_460 : vector<16xf32>
      %get3A_462 = arith.constant 1760 : index
      %get3A_463 = tpu.vector_load %arg7[%get3A_462] {strides = array<i32>} : memref<3200xf32, #tpu.memory_space<vmem>>, vector<16xf32>,
      %get3A_464 = vector.shape_cast %get3A_463 : vector<16xf32> to vector<16xf32>
      %add3A_465 = arith.addf %add3A_449, %get3A_464 : vector<16xf32>
      %get3A_466 = arith.constant 1776 : index
      %get3A_467 = tpu.vector_load %arg7[%get3A_466] {strides = array<i32>} : memref<3200xf32, #tpu.memory_space<vmem>>, vector<16xf32>,
      %get3A_468 = vector.shape_cast %get3A_467 : vector<16xf32> to vector<16xf32>
      %add3A_469 = arith.addf %add3A_453, %get3A_468 : vector<16xf32>
      %get3A_470 = arith.constant 1792 : index
      %get3A_471 = tpu.vector_load %arg7[%get3A_470] {strides = array<i32>} : memref<3200xf32, #tpu.memory_space<vmem>>, vector<16xf32>,
      %get3A_472 = vector.shape_cast %get3A_471 : vector<16xf32> to vector<16xf32>
      %add3A_473 = arith.addf %add3A_457, %get3A_472 : vector<16xf32>
      %get3A_474 = arith.constant 1808 : index
      %get3A_475 = tpu.vector_load %arg7[%get3A_474] {strides = array<i32>} : memref<3200xf32, #tpu.memory_space<vmem>>, vector<16xf32>,
      %get3A_476 = vector.shape_cast %get3A_475 : vector<16xf32> to vector<16xf32>
      %add3A_477 = arith.addf %add3A_461, %get3A_476 : vector<16xf32>
      %get3A_478 = arith.constant 1824 : index
      %get3A_479 = tpu.vector_load %arg7[%get3A_478] {strides = array<i32>} : memref<3200xf32, #tpu.memory_space<vmem>>, vector<16xf32>,
      %get3A_480 = vector.shape_cast %get3A_479 : vector<16xf32> to vector<16xf32>
      %add3A_481 = arith.addf %add3A_465, %get3A_480 : vector<16xf32>
      %get3A_482 = arith.constant 1840 : index
      %get3A_483 = tpu.vector_load %arg7[%get3A_482] {strides = array<i32>} : memref<3200xf32, #tpu.memory_space<vmem>>, vector<16xf32>,
      %get3A_484 = vector.shape_cast %get3A_483 : vector<16xf32> to vector<16xf32>
      %add3A_485 = arith.addf %add3A_469, %get3A_484 : vector<16xf32>
      %get3A_486 = arith.constant 1856 : index
      %get3A_487 = tpu.vector_load %arg7[%get3A_486] {strides = array<i32>} : memref<3200xf32, #tpu.memory_space<vmem>>, vector<16xf32>,
      %get3A_488 = vector.shape_cast %get3A_487 : vector<16xf32> to vector<16xf32>
      %add3A_489 = arith.addf %add3A_473, %get3A_488 : vector<16xf32>
      %get3A_490 = arith.constant 1872 : index
      %get3A_491 = tpu.vector_load %arg7[%get3A_490] {strides = array<i32>} : memref<3200xf32, #tpu.memory_space<vmem>>, vector<16xf32>,
      %get3A_492 = vector.shape_cast %get3A_491 : vector<16xf32> to vector<16xf32>
      %add3A_493 = arith.addf %add3A_477, %get3A_492 : vector<16xf32>
      %get3A_494 = arith.constant 1888 : index
      %get3A_495 = tpu.vector_load %arg7[%get3A_494] {strides = array<i32>} : memref<3200xf32, #tpu.memory_space<vmem>>, vector<16xf32>,
      %get3A_496 = vector.shape_cast %get3A_495 : vector<16xf32> to vector<16xf32>
      %add3A_497 = arith.addf %add3A_481, %get3A_496 : vector<16xf32>
      %get3A_498 = arith.constant 1904 : index
      %get3A_499 = tpu.vector_load %arg7[%get3A_498] {strides = array<i32>} : memref<3200xf32, #tpu.memory_space<vmem>>, vector<16xf32>,
      %get3A_500 = vector.shape_cast %get3A_499 : vector<16xf32> to vector<16xf32>
      %add3A_501 = arith.addf %add3A_485, %get3A_500 : vector<16xf32>
      %get3A_502 = arith.constant 1920 : index
      %get3A_503 = tpu.vector_load %arg7[%get3A_502] {strides = array<i32>} : memref<3200xf32, #tpu.memory_space<vmem>>, vector<16xf32>,
      %get3A_504 = vector.shape_cast %get3A_503 : vector<16xf32> to vector<16xf32>
      %add3A_505 = arith.addf %add3A_489, %get3A_504 : vector<16xf32>
      %get3A_506 = arith.constant 1936 : index
      %get3A_507 = tpu.vector_load %arg7[%get3A_506] {strides = array<i32>} : memref<3200xf32, #tpu.memory_space<vmem>>, vector<16xf32>,
      %get3A_508 = vector.shape_cast %get3A_507 : vector<16xf32> to vector<16xf32>
      %add3A_509 = arith.addf %add3A_493, %get3A_508 : vector<16xf32>
      %get3A_510 = arith.constant 1952 : index
      %get3A_511 = tpu.vector_load %arg7[%get3A_510] {strides = array<i32>} : memref<3200xf32, #tpu.memory_space<vmem>>, vector<16xf32>,
      %get3A_512 = vector.shape_cast %get3A_511 : vector<16xf32> to vector<16xf32>
      %add3A_513 = arith.addf %add3A_497, %get3A_512 : vector<16xf32>
      %get3A_514 = arith.constant 1968 : index
      %get3A_515 = tpu.vector_load %arg7[%get3A_514] {strides = array<i32>} : memref<3200xf32, #tpu.memory_space<vmem>>, vector<16xf32>,
      %get3A_516 = vector.shape_cast %get3A_515 : vector<16xf32> to vector<16xf32>
      %add3A_517 = arith.addf %add3A_501, %get3A_516 : vector<16xf32>
      %get3A_518 = arith.constant 1984 : index
      %get3A_519 = tpu.vector_load %arg7[%get3A_518] {strides = array<i32>} : memref<3200xf32, #tpu.memory_space<vmem>>, vector<16xf32>,
      %get3A_520 = vector.shape_cast %get3A_519 : vector<16xf32> to vector<16xf32>
      %add3A_521 = arith.addf %add3A_505, %get3A_520 : vector<16xf32>
      %get3A_522 = arith.constant 2000 : index
      %get3A_523 = tpu.vector_load %arg7[%get3A_522] {strides = array<i32>} : memref<3200xf32, #tpu.memory_space<vmem>>, vector<16xf32>,
      %get3A_524 = vector.shape_cast %get3A_523 : vector<16xf32> to vector<16xf32>
      %add3A_525 = arith.addf %add3A_509, %get3A_524 : vector<16xf32>
      %get3A_526 = arith.constant 2016 : index
      %get3A_527 = tpu.vector_load %arg7[%get3A_526] {strides = array<i32>} : memref<3200xf32, #tpu.memory_space<vmem>>, vector<16xf32>,
      %get3A_528 = vector.shape_cast %get3A_527 : vector<16xf32> to vector<16xf32>
      %add3A_529 = arith.addf %add3A_513, %get3A_528 : vector<16xf32>
      %get3A_530 = arith.constant 2032 : index
      %get3A_531 = tpu.vector_load %arg7[%get3A_530] {strides = array<i32>} : memref<3200xf32, #tpu.memory_space<vmem>>, vector<16xf32>,
      %get3A_532 = vector.shape_cast %get3A_531 : vector<16xf32> to vector<16xf32>
      %add3A_533 = arith.addf %add3A_517, %get3A_532 : vector<16xf32>
      %get3A_534 = arith.constant 2048 : index
      %get3A_535 = tpu.vector_load %arg7[%get3A_534] {strides = array<i32>} : memref<3200xf32, #tpu.memory_space<vmem>>, vector<16xf32>,
      %get3A_536 = vector.shape_cast %get3A_535 : vector<16xf32> to vector<16xf32>
      %add3A_537 = arith.addf %add3A_521, %get3A_536 : vector<16xf32>
      %get3A_538 = arith.constant 2064 : index
      %get3A_539 = tpu.vector_load %arg7[%get3A_538] {strides = array<i32>} : memref<3200xf32, #tpu.memory_space<vmem>>, vector<16xf32>,
      %get3A_540 = vector.shape_cast %get3A_539 : vector<16xf32> to vector<16xf32>
      %add3A_541 = arith.addf %add3A_525, %get3A_540 : vector<16xf32>
      %get3A_542 = arith.constant 2080 : index
      %get3A_543 = tpu.vector_load %arg7[%get3A_542] {strides = array<i32>} : memref<3200xf32, #tpu.memory_space<vmem>>, vector<16xf32>,
      %get3A_544 = vector.shape_cast %get3A_543 : vector<16xf32> to vector<16xf32>
      %add3A_545 = arith.addf %add3A_529, %get3A_544 : vector<16xf32>
      %get3A_546 = arith.constant 2096 : index
      %get3A_547 = tpu.vector_load %arg7[%get3A_546] {strides = array<i32>} : memref<3200xf32, #tpu.memory_space<vmem>>, vector<16xf32>,
      %get3A_548 = vector.shape_cast %get3A_547 : vector<16xf32> to vector<16xf32>
      %add3A_549 = arith.addf %add3A_533, %get3A_548 : vector<16xf32>
      %get3A_550 = arith.constant 2112 : index
      %get3A_551 = tpu.vector_load %arg7[%get3A_550] {strides = array<i32>} : memref<3200xf32, #tpu.memory_space<vmem>>, vector<16xf32>,
      %get3A_552 = vector.shape_cast %get3A_551 : vector<16xf32> to vector<16xf32>
      %add3A_553 = arith.addf %add3A_537, %get3A_552 : vector<16xf32>
      %get3A_554 = arith.constant 2128 : index
      %get3A_555 = tpu.vector_load %arg7[%get3A_554] {strides = array<i32>} : memref<3200xf32, #tpu.memory_space<vmem>>, vector<16xf32>,
      %get3A_556 = vector.shape_cast %get3A_555 : vector<16xf32> to vector<16xf32>
      %add3A_557 = arith.addf %add3A_541, %get3A_556 : vector<16xf32>
      %get3A_558 = arith.constant 2144 : index
      %get3A_559 = tpu.vector_load %arg7[%get3A_558] {strides = array<i32>} : memref<3200xf32, #tpu.memory_space<vmem>>, vector<16xf32>,
      %get3A_560 = vector.shape_cast %get3A_559 : vector<16xf32> to vector<16xf32>
      %add3A_561 = arith.addf %add3A_545, %get3A_560 : vector<16xf32>
      %get3A_562 = arith.constant 2160 : index
      %get3A_563 = tpu.vector_load %arg7[%get3A_562] {strides = array<i32>} : memref<3200xf32, #tpu.memory_space<vmem>>, vector<16xf32>,
      %get3A_564 = vector.shape_cast %get3A_563 : vector<16xf32> to vector<16xf32>
      %add3A_565 = arith.addf %add3A_549, %get3A_564 : vector<16xf32>
      %get3A_566 = arith.constant 2176 : index
      %get3A_567 = tpu.vector_load %arg7[%get3A_566] {strides = array<i32>} : memref<3200xf32, #tpu.memory_space<vmem>>, vector<16xf32>,
      %get3A_568 = vector.shape_cast %get3A_567 : vector<16xf32> to vector<16xf32>
      %add3A_569 = arith.addf %add3A_553, %get3A_568 : vector<16xf32>
      %get3A_570 = arith.constant 2192 : index
      %get3A_571 = tpu.vector_load %arg7[%get3A_570] {strides = array<i32>} : memref<3200xf32, #tpu.memory_space<vmem>>, vector<16xf32>,
      %get3A_572 = vector.shape_cast %get3A_571 : vector<16xf32> to vector<16xf32>
      %add3A_573 = arith.addf %add3A_557, %get3A_572 : vector<16xf32>
      %get3A_574 = arith.constant 2208 : index
      %get3A_575 = tpu.vector_load %arg7[%get3A_574] {strides = array<i32>} : memref<3200xf32, #tpu.memory_space<vmem>>, vector<16xf32>,
      %get3A_576 = vector.shape_cast %get3A_575 : vector<16xf32> to vector<16xf32>
      %add3A_577 = arith.addf %add3A_561, %get3A_576 : vector<16xf32>
      %get3A_578 = arith.constant 2224 : index
      %get3A_579 = tpu.vector_load %arg7[%get3A_578] {strides = array<i32>} : memref<3200xf32, #tpu.memory_space<vmem>>, vector<16xf32>,
      %get3A_580 = vector.shape_cast %get3A_579 : vector<16xf32> to vector<16xf32>
      %add3A_581 = arith.addf %add3A_565, %get3A_580 : vector<16xf32>
      %get3A_582 = arith.constant 2240 : index
      %get3A_583 = tpu.vector_load %arg7[%get3A_582] {strides = array<i32>} : memref<3200xf32, #tpu.memory_space<vmem>>, vector<16xf32>,
      %get3A_584 = vector.shape_cast %get3A_583 : vector<16xf32> to vector<16xf32>
      %add3A_585 = arith.addf %add3A_569, %get3A_584 : vector<16xf32>
      %get3A_586 = arith.constant 2256 : index
      %get3A_587 = tpu.vector_load %arg7[%get3A_586] {strides = array<i32>} : memref<3200xf32, #tpu.memory_space<vmem>>, vector<16xf32>,
      %get3A_588 = vector.shape_cast %get3A_587 : vector<16xf32> to vector<16xf32>
      %add3A_589 = arith.addf %add3A_573, %get3A_588 : vector<16xf32>
      %get3A_590 = arith.constant 2272 : index
      %get3A_591 = tpu.vector_load %arg7[%get3A_590] {strides = array<i32>} : memref<3200xf32, #tpu.memory_space<vmem>>, vector<16xf32>,
      %get3A_592 = vector.shape_cast %get3A_591 : vector<16xf32> to vector<16xf32>
      %add3A_593 = arith.addf %add3A_577, %get3A_592 : vector<16xf32>
      %get3A_594 = arith.constant 2288 : index
      %get3A_595 = tpu.vector_load %arg7[%get3A_594] {strides = array<i32>} : memref<3200xf32, #tpu.memory_space<vmem>>, vector<16xf32>,
      %get3A_596 = vector.shape_cast %get3A_595 : vector<16xf32> to vector<16xf32>
      %add3A_597 = arith.addf %add3A_581, %get3A_596 : vector<16xf32>
      %get3A_598 = arith.constant 2304 : index
      %get3A_599 = tpu.vector_load %arg7[%get3A_598] {strides = array<i32>} : memref<3200xf32, #tpu.memory_space<vmem>>, vector<16xf32>,
      %get3A_600 = vector.shape_cast %get3A_599 : vector<16xf32> to vector<16xf32>
      %add3A_601 = arith.addf %add3A_585, %get3A_600 : vector<16xf32>
      %get3A_602 = arith.constant 2320 : index
      %get3A_603 = tpu.vector_load %arg7[%get3A_602] {strides = array<i32>} : memref<3200xf32, #tpu.memory_space<vmem>>, vector<16xf32>,
      %get3A_604 = vector.shape_cast %get3A_603 : vector<16xf32> to vector<16xf32>
      %add3A_605 = arith.addf %add3A_589, %get3A_604 : vector<16xf32>
      %get3A_606 = arith.constant 2336 : index
      %get3A_607 = tpu.vector_load %arg7[%get3A_606] {strides = array<i32>} : memref<3200xf32, #tpu.memory_space<vmem>>, vector<16xf32>,
      %get3A_608 = vector.shape_cast %get3A_607 : vector<16xf32> to vector<16xf32>
      %add3A_609 = arith.addf %add3A_593, %get3A_608 : vector<16xf32>
      %get3A_610 = arith.constant 2352 : index
      %get3A_611 = tpu.vector_load %arg7[%get3A_610] {strides = array<i32>} : memref<3200xf32, #tpu.memory_space<vmem>>, vector<16xf32>,
      %get3A_612 = vector.shape_cast %get3A_611 : vector<16xf32> to vector<16xf32>
      %add3A_613 = arith.addf %add3A_597, %get3A_612 : vector<16xf32>
      %get3A_614 = arith.constant 2368 : index
      %get3A_615 = tpu.vector_load %arg7[%get3A_614] {strides = array<i32>} : memref<3200xf32, #tpu.memory_space<vmem>>, vector<16xf32>,
      %get3A_616 = vector.shape_cast %get3A_615 : vector<16xf32> to vector<16xf32>
      %add3A_617 = arith.addf %add3A_601, %get3A_616 : vector<16xf32>
      %get3A_618 = arith.constant 2384 : index
      %get3A_619 = tpu.vector_load %arg7[%get3A_618] {strides = array<i32>} : memref<3200xf32, #tpu.memory_space<vmem>>, vector<16xf32>,
      %get3A_620 = vector.shape_cast %get3A_619 : vector<16xf32> to vector<16xf32>
      %add3A_621 = arith.addf %add3A_605, %get3A_620 : vector<16xf32>
      %get3A_622 = arith.constant 2400 : index
      %get3A_623 = tpu.vector_load %arg7[%get3A_622] {strides = array<i32>} : memref<3200xf32, #tpu.memory_space<vmem>>, vector<16xf32>,
      %get3A_624 = vector.shape_cast %get3A_623 : vector<16xf32> to vector<16xf32>
      %add3A_625 = arith.addf %add3A_609, %get3A_624 : vector<16xf32>
      %get3A_626 = arith.constant 2416 : index
      %get3A_627 = tpu.vector_load %arg7[%get3A_626] {strides = array<i32>} : memref<3200xf32, #tpu.memory_space<vmem>>, vector<16xf32>,
      %get3A_628 = vector.shape_cast %get3A_627 : vector<16xf32> to vector<16xf32>
      %add3A_629 = arith.addf %add3A_613, %get3A_628 : vector<16xf32>
      %get3A_630 = arith.constant 2432 : index
      %get3A_631 = tpu.vector_load %arg7[%get3A_630] {strides = array<i32>} : memref<3200xf32, #tpu.memory_space<vmem>>, vector<16xf32>,
      %get3A_632 = vector.shape_cast %get3A_631 : vector<16xf32> to vector<16xf32>
      %add3A_633 = arith.addf %add3A_617, %get3A_632 : vector<16xf32>
      %get3A_634 = arith.constant 2448 : index
      %get3A_635 = tpu.vector_load %arg7[%get3A_634] {strides = array<i32>} : memref<3200xf32, #tpu.memory_space<vmem>>, vector<16xf32>,
      %get3A_636 = vector.shape_cast %get3A_635 : vector<16xf32> to vector<16xf32>
      %add3A_637 = arith.addf %add3A_621, %get3A_636 : vector<16xf32>
      %get3A_638 = arith.constant 2464 : index
      %get3A_639 = tpu.vector_load %arg7[%get3A_638] {strides = array<i32>} : memref<3200xf32, #tpu.memory_space<vmem>>, vector<16xf32>,
      %get3A_640 = vector.shape_cast %get3A_639 : vector<16xf32> to vector<16xf32>
      %add3A_641 = arith.addf %add3A_625, %get3A_640 : vector<16xf32>
      %get3A_642 = arith.constant 2480 : index
      %get3A_643 = tpu.vector_load %arg7[%get3A_642] {strides = array<i32>} : memref<3200xf32, #tpu.memory_space<vmem>>, vector<16xf32>,
      %get3A_644 = vector.shape_cast %get3A_643 : vector<16xf32> to vector<16xf32>
      %add3A_645 = arith.addf %add3A_629, %get3A_644 : vector<16xf32>
      %get3A_646 = arith.constant 2496 : index
      %get3A_647 = tpu.vector_load %arg7[%get3A_646] {strides = array<i32>} : memref<3200xf32, #tpu.memory_space<vmem>>, vector<16xf32>,
      %get3A_648 = vector.shape_cast %get3A_647 : vector<16xf32> to vector<16xf32>
      %add3A_649 = arith.addf %add3A_633, %get3A_648 : vector<16xf32>
      %get3A_650 = arith.constant 2512 : index
      %get3A_651 = tpu.vector_load %arg7[%get3A_650] {strides = array<i32>} : memref<3200xf32, #tpu.memory_space<vmem>>, vector<16xf32>,
      %get3A_652 = vector.shape_cast %get3A_651 : vector<16xf32> to vector<16xf32>
      %add3A_653 = arith.addf %add3A_637, %get3A_652 : vector<16xf32>
      %get3A_654 = arith.constant 2528 : index
      %get3A_655 = tpu.vector_load %arg7[%get3A_654] {strides = array<i32>} : memref<3200xf32, #tpu.memory_space<vmem>>, vector<16xf32>,
      %get3A_656 = vector.shape_cast %get3A_655 : vector<16xf32> to vector<16xf32>
      %add3A_657 = arith.addf %add3A_641, %get3A_656 : vector<16xf32>
      %get3A_658 = arith.constant 2544 : index
      %get3A_659 = tpu.vector_load %arg7[%get3A_658] {strides = array<i32>} : memref<3200xf32, #tpu.memory_space<vmem>>, vector<16xf32>,
      %get3A_660 = vector.shape_cast %get3A_659 : vector<16xf32> to vector<16xf32>
      %add3A_661 = arith.addf %add3A_645, %get3A_660 : vector<16xf32>
      %get3A_662 = arith.constant 2560 : index
      %get3A_663 = tpu.vector_load %arg7[%get3A_662] {strides = array<i32>} : memref<3200xf32, #tpu.memory_space<vmem>>, vector<16xf32>,
      %get3A_664 = vector.shape_cast %get3A_663 : vector<16xf32> to vector<16xf32>
      %add3A_665 = arith.addf %add3A_649, %get3A_664 : vector<16xf32>
      %get3A_666 = arith.constant 2576 : index
      %get3A_667 = tpu.vector_load %arg7[%get3A_666] {strides = array<i32>} : memref<3200xf32, #tpu.memory_space<vmem>>, vector<16xf32>,
      %get3A_668 = vector.shape_cast %get3A_667 : vector<16xf32> to vector<16xf32>
      %add3A_669 = arith.addf %add3A_653, %get3A_668 : vector<16xf32>
      %get3A_670 = arith.constant 2592 : index
      %get3A_671 = tpu.vector_load %arg7[%get3A_670] {strides = array<i32>} : memref<3200xf32, #tpu.memory_space<vmem>>, vector<16xf32>,
      %get3A_672 = vector.shape_cast %get3A_671 : vector<16xf32> to vector<16xf32>
      %add3A_673 = arith.addf %add3A_657, %get3A_672 : vector<16xf32>
      %get3A_674 = arith.constant 2608 : index
      %get3A_675 = tpu.vector_load %arg7[%get3A_674] {strides = array<i32>} : memref<3200xf32, #tpu.memory_space<vmem>>, vector<16xf32>,
      %get3A_676 = vector.shape_cast %get3A_675 : vector<16xf32> to vector<16xf32>
      %add3A_677 = arith.addf %add3A_661, %get3A_676 : vector<16xf32>
      %get3A_678 = arith.constant 2624 : index
      %get3A_679 = tpu.vector_load %arg7[%get3A_678] {strides = array<i32>} : memref<3200xf32, #tpu.memory_space<vmem>>, vector<16xf32>,
      %get3A_680 = vector.shape_cast %get3A_679 : vector<16xf32> to vector<16xf32>
      %add3A_681 = arith.addf %add3A_665, %get3A_680 : vector<16xf32>
      %get3A_682 = arith.constant 2640 : index
      %get3A_683 = tpu.vector_load %arg7[%get3A_682] {strides = array<i32>} : memref<3200xf32, #tpu.memory_space<vmem>>, vector<16xf32>,
      %get3A_684 = vector.shape_cast %get3A_683 : vector<16xf32> to vector<16xf32>
      %add3A_685 = arith.addf %add3A_669, %get3A_684 : vector<16xf32>
      %get3A_686 = arith.constant 2656 : index
      %get3A_687 = tpu.vector_load %arg7[%get3A_686] {strides = array<i32>} : memref<3200xf32, #tpu.memory_space<vmem>>, vector<16xf32>,
      %get3A_688 = vector.shape_cast %get3A_687 : vector<16xf32> to vector<16xf32>
      %add3A_689 = arith.addf %add3A_673, %get3A_688 : vector<16xf32>
      %get3A_690 = arith.constant 2672 : index
      %get3A_691 = tpu.vector_load %arg7[%get3A_690] {strides = array<i32>} : memref<3200xf32, #tpu.memory_space<vmem>>, vector<16xf32>,
      %get3A_692 = vector.shape_cast %get3A_691 : vector<16xf32> to vector<16xf32>
      %add3A_693 = arith.addf %add3A_677, %get3A_692 : vector<16xf32>
      %get3A_694 = arith.constant 2688 : index
      %get3A_695 = tpu.vector_load %arg7[%get3A_694] {strides = array<i32>} : memref<3200xf32, #tpu.memory_space<vmem>>, vector<16xf32>,
      %get3A_696 = vector.shape_cast %get3A_695 : vector<16xf32> to vector<16xf32>
      %add3A_697 = arith.addf %add3A_681, %get3A_696 : vector<16xf32>
      %get3A_698 = arith.constant 2704 : index
      %get3A_699 = tpu.vector_load %arg7[%get3A_698] {strides = array<i32>} : memref<3200xf32, #tpu.memory_space<vmem>>, vector<16xf32>,
      %get3A_700 = vector.shape_cast %get3A_699 : vector<16xf32> to vector<16xf32>
      %add3A_701 = arith.addf %add3A_685, %get3A_700 : vector<16xf32>
      %get3A_702 = arith.constant 2720 : index
      %get3A_703 = tpu.vector_load %arg7[%get3A_702] {strides = array<i32>} : memref<3200xf32, #tpu.memory_space<vmem>>, vector<16xf32>,
      %get3A_704 = vector.shape_cast %get3A_703 : vector<16xf32> to vector<16xf32>
      %add3A_705 = arith.addf %add3A_689, %get3A_704 : vector<16xf32>
      %get3A_706 = arith.constant 2736 : index
      %get3A_707 = tpu.vector_load %arg7[%get3A_706] {strides = array<i32>} : memref<3200xf32, #tpu.memory_space<vmem>>, vector<16xf32>,
      %get3A_708 = vector.shape_cast %get3A_707 : vector<16xf32> to vector<16xf32>
      %add3A_709 = arith.addf %add3A_693, %get3A_708 : vector<16xf32>
      %get3A_710 = arith.constant 2752 : index
      %get3A_711 = tpu.vector_load %arg7[%get3A_710] {strides = array<i32>} : memref<3200xf32, #tpu.memory_space<vmem>>, vector<16xf32>,
      %get3A_712 = vector.shape_cast %get3A_711 : vector<16xf32> to vector<16xf32>
      %add3A_713 = arith.addf %add3A_697, %get3A_712 : vector<16xf32>
      %get3A_714 = arith.constant 2768 : index
      %get3A_715 = tpu.vector_load %arg7[%get3A_714] {strides = array<i32>} : memref<3200xf32, #tpu.memory_space<vmem>>, vector<16xf32>,
      %get3A_716 = vector.shape_cast %get3A_715 : vector<16xf32> to vector<16xf32>
      %add3A_717 = arith.addf %add3A_701, %get3A_716 : vector<16xf32>
      %get3A_718 = arith.constant 2784 : index
      %get3A_719 = tpu.vector_load %arg7[%get3A_718] {strides = array<i32>} : memref<3200xf32, #tpu.memory_space<vmem>>, vector<16xf32>,
      %get3A_720 = vector.shape_cast %get3A_719 : vector<16xf32> to vector<16xf32>
      %add3A_721 = arith.addf %add3A_705, %get3A_720 : vector<16xf32>
      %get3A_722 = arith.constant 2800 : index
      %get3A_723 = tpu.vector_load %arg7[%get3A_722] {strides = array<i32>} : memref<3200xf32, #tpu.memory_space<vmem>>, vector<16xf32>,
      %get3A_724 = vector.shape_cast %get3A_723 : vector<16xf32> to vector<16xf32>
      %add3A_725 = arith.addf %add3A_709, %get3A_724 : vector<16xf32>
      %get3A_726 = arith.constant 2816 : index
      %get3A_727 = tpu.vector_load %arg7[%get3A_726] {strides = array<i32>} : memref<3200xf32, #tpu.memory_space<vmem>>, vector<16xf32>,
      %get3A_728 = vector.shape_cast %get3A_727 : vector<16xf32> to vector<16xf32>
      %add3A_729 = arith.addf %add3A_713, %get3A_728 : vector<16xf32>
      %get3A_730 = arith.constant 2832 : index
      %get3A_731 = tpu.vector_load %arg7[%get3A_730] {strides = array<i32>} : memref<3200xf32, #tpu.memory_space<vmem>>, vector<16xf32>,
      %get3A_732 = vector.shape_cast %get3A_731 : vector<16xf32> to vector<16xf32>
      %add3A_733 = arith.addf %add3A_717, %get3A_732 : vector<16xf32>
      %get3A_734 = arith.constant 2848 : index
      %get3A_735 = tpu.vector_load %arg7[%get3A_734] {strides = array<i32>} : memref<3200xf32, #tpu.memory_space<vmem>>, vector<16xf32>,
      %get3A_736 = vector.shape_cast %get3A_735 : vector<16xf32> to vector<16xf32>
      %add3A_737 = arith.addf %add3A_721, %get3A_736 : vector<16xf32>
      %get3A_738 = arith.constant 2864 : index
      %get3A_739 = tpu.vector_load %arg7[%get3A_738] {strides = array<i32>} : memref<3200xf32, #tpu.memory_space<vmem>>, vector<16xf32>,
      %get3A_740 = vector.shape_cast %get3A_739 : vector<16xf32> to vector<16xf32>
      %add3A_741 = arith.addf %add3A_725, %get3A_740 : vector<16xf32>
      %get3A_742 = arith.constant 2880 : index
      %get3A_743 = tpu.vector_load %arg7[%get3A_742] {strides = array<i32>} : memref<3200xf32, #tpu.memory_space<vmem>>, vector<16xf32>,
      %get3A_744 = vector.shape_cast %get3A_743 : vector<16xf32> to vector<16xf32>
      %add3A_745 = arith.addf %add3A_729, %get3A_744 : vector<16xf32>
      %get3A_746 = arith.constant 2896 : index
      %get3A_747 = tpu.vector_load %arg7[%get3A_746] {strides = array<i32>} : memref<3200xf32, #tpu.memory_space<vmem>>, vector<16xf32>,
      %get3A_748 = vector.shape_cast %get3A_747 : vector<16xf32> to vector<16xf32>
      %add3A_749 = arith.addf %add3A_733, %get3A_748 : vector<16xf32>
      %get3A_750 = arith.constant 2912 : index
      %get3A_751 = tpu.vector_load %arg7[%get3A_750] {strides = array<i32>} : memref<3200xf32, #tpu.memory_space<vmem>>, vector<16xf32>,
      %get3A_752 = vector.shape_cast %get3A_751 : vector<16xf32> to vector<16xf32>
      %add3A_753 = arith.addf %add3A_737, %get3A_752 : vector<16xf32>
      %get3A_754 = arith.constant 2928 : index
      %get3A_755 = tpu.vector_load %arg7[%get3A_754] {strides = array<i32>} : memref<3200xf32, #tpu.memory_space<vmem>>, vector<16xf32>,
      %get3A_756 = vector.shape_cast %get3A_755 : vector<16xf32> to vector<16xf32>
      %add3A_757 = arith.addf %add3A_741, %get3A_756 : vector<16xf32>
      %get3A_758 = arith.constant 2944 : index
      %get3A_759 = tpu.vector_load %arg7[%get3A_758] {strides = array<i32>} : memref<3200xf32, #tpu.memory_space<vmem>>, vector<16xf32>,
      %get3A_760 = vector.shape_cast %get3A_759 : vector<16xf32> to vector<16xf32>
      %add3A_761 = arith.addf %add3A_745, %get3A_760 : vector<16xf32>
      %get3A_762 = arith.constant 2960 : index
      %get3A_763 = tpu.vector_load %arg7[%get3A_762] {strides = array<i32>} : memref<3200xf32, #tpu.memory_space<vmem>>, vector<16xf32>,
      %get3A_764 = vector.shape_cast %get3A_763 : vector<16xf32> to vector<16xf32>
      %add3A_765 = arith.addf %add3A_749, %get3A_764 : vector<16xf32>
      %get3A_766 = arith.constant 2976 : index
      %get3A_767 = tpu.vector_load %arg7[%get3A_766] {strides = array<i32>} : memref<3200xf32, #tpu.memory_space<vmem>>, vector<16xf32>,
      %get3A_768 = vector.shape_cast %get3A_767 : vector<16xf32> to vector<16xf32>
      %add3A_769 = arith.addf %add3A_753, %get3A_768 : vector<16xf32>
      %get3A_770 = arith.constant 2992 : index
      %get3A_771 = tpu.vector_load %arg7[%get3A_770] {strides = array<i32>} : memref<3200xf32, #tpu.memory_space<vmem>>, vector<16xf32>,
      %get3A_772 = vector.shape_cast %get3A_771 : vector<16xf32> to vector<16xf32>
      %add3A_773 = arith.addf %add3A_757, %get3A_772 : vector<16xf32>
      %get3A_774 = arith.constant 3008 : index
      %get3A_775 = tpu.vector_load %arg7[%get3A_774] {strides = array<i32>} : memref<3200xf32, #tpu.memory_space<vmem>>, vector<16xf32>,
      %get3A_776 = vector.shape_cast %get3A_775 : vector<16xf32> to vector<16xf32>
      %add3A_777 = arith.addf %add3A_761, %get3A_776 : vector<16xf32>
      %get3A_778 = arith.constant 3024 : index
      %get3A_779 = tpu.vector_load %arg7[%get3A_778] {strides = array<i32>} : memref<3200xf32, #tpu.memory_space<vmem>>, vector<16xf32>,
      %get3A_780 = vector.shape_cast %get3A_779 : vector<16xf32> to vector<16xf32>
      %add3A_781 = arith.addf %add3A_765, %get3A_780 : vector<16xf32>
      %get3A_782 = arith.constant 3040 : index
      %get3A_783 = tpu.vector_load %arg7[%get3A_782] {strides = array<i32>} : memref<3200xf32, #tpu.memory_space<vmem>>, vector<16xf32>,
      %get3A_784 = vector.shape_cast %get3A_783 : vector<16xf32> to vector<16xf32>
      %add3A_785 = arith.addf %add3A_769, %get3A_784 : vector<16xf32>
      %get3A_786 = arith.constant 3056 : index
      %get3A_787 = tpu.vector_load %arg7[%get3A_786] {strides = array<i32>} : memref<3200xf32, #tpu.memory_space<vmem>>, vector<16xf32>,
      %get3A_788 = vector.shape_cast %get3A_787 : vector<16xf32> to vector<16xf32>
      %add3A_789 = arith.addf %add3A_773, %get3A_788 : vector<16xf32>
      %get3A_790 = arith.constant 3072 : index
      %get3A_791 = tpu.vector_load %arg7[%get3A_790] {strides = array<i32>} : memref<3200xf32, #tpu.memory_space<vmem>>, vector<16xf32>,
      %get3A_792 = vector.shape_cast %get3A_791 : vector<16xf32> to vector<16xf32>
      %add3A_793 = arith.addf %add3A_777, %get3A_792 : vector<16xf32>
      %get3A_794 = arith.constant 3088 : index
      %get3A_795 = tpu.vector_load %arg7[%get3A_794] {strides = array<i32>} : memref<3200xf32, #tpu.memory_space<vmem>>, vector<16xf32>,
      %get3A_796 = vector.shape_cast %get3A_795 : vector<16xf32> to vector<16xf32>
      %add3A_797 = arith.addf %add3A_781, %get3A_796 : vector<16xf32>
      %get3A_798 = arith.constant 3104 : index
      %get3A_799 = tpu.vector_load %arg7[%get3A_798] {strides = array<i32>} : memref<3200xf32, #tpu.memory_space<vmem>>, vector<16xf32>,
      %get3A_800 = vector.shape_cast %get3A_799 : vector<16xf32> to vector<16xf32>
      %add3A_801 = arith.addf %add3A_785, %get3A_800 : vector<16xf32>
      %get3A_802 = arith.constant 3120 : index
      %get3A_803 = tpu.vector_load %arg7[%get3A_802] {strides = array<i32>} : memref<3200xf32, #tpu.memory_space<vmem>>, vector<16xf32>,
      %get3A_804 = vector.shape_cast %get3A_803 : vector<16xf32> to vector<16xf32>
      %add3A_805 = arith.addf %add3A_789, %get3A_804 : vector<16xf32>
      %get3A_806 = arith.constant 3136 : index
      %get3A_807 = tpu.vector_load %arg7[%get3A_806] {strides = array<i32>} : memref<3200xf32, #tpu.memory_space<vmem>>, vector<16xf32>,
      %get3A_808 = vector.shape_cast %get3A_807 : vector<16xf32> to vector<16xf32>
      %add3A_809 = arith.addf %add3A_793, %get3A_808 : vector<16xf32>
      %get3A_810 = arith.constant 3152 : index
      %get3A_811 = tpu.vector_load %arg7[%get3A_810] {strides = array<i32>} : memref<3200xf32, #tpu.memory_space<vmem>>, vector<16xf32>,
      %get3A_812 = vector.shape_cast %get3A_811 : vector<16xf32> to vector<16xf32>
      %add3A_813 = arith.addf %add3A_797, %get3A_812 : vector<16xf32>
      %get3A_814 = arith.constant 3168 : index
      %get3A_815 = tpu.vector_load %arg7[%get3A_814] {strides = array<i32>} : memref<3200xf32, #tpu.memory_space<vmem>>, vector<16xf32>,
      %get3A_816 = vector.shape_cast %get3A_815 : vector<16xf32> to vector<16xf32>
      %add3A_817 = arith.addf %add3A_801, %get3A_816 : vector<16xf32>
      %get3A_818 = arith.constant 3184 : index
      %get3A_819 = tpu.vector_load %arg7[%get3A_818] {strides = array<i32>} : memref<3200xf32, #tpu.memory_space<vmem>>, vector<16xf32>,
      %get3A_820 = vector.shape_cast %get3A_819 : vector<16xf32> to vector<16xf32>
      %add3A_821 = arith.addf %add3A_805, %get3A_820 : vector<16xf32>
      %add3A_822 = arith.addf %add3A_809, %add3A_813 : vector<16xf32>
      %add3A_823 = arith.addf %add3A_817, %add3A_821 : vector<16xf32>
      %add3A_824 = arith.addf %add3A_822, %add3A_823 : vector<16xf32>
      %neg3A = arith.constant 0.000000e+00 : f32
      %neg3A_825 = vector.broadcast %neg3A : f32 to vector<16xf32>
      %neg3A_826 = arith.subf %neg3A_825, %add3A_824 : vector<16xf32>
      %exp3A = math.exp %neg3A_826 : vector<16xf32>
      %add3A_827 = arith.constant 1.000000e+00 : f32
      %add3A_828 = vector.broadcast %add3A_827 : f32 to vector<16xf32>
      %add3A_829 = arith.addf %add3A_828, %exp3A : vector<16xf32>
      %div3A = arith.constant 1.000000e+00 : f32
      %div3A_830 = vector.broadcast %div3A : f32 to vector<16xf32>
      %div3A_831 = arith.divf %div3A_830, %add3A_829 : vector<16xf32>
      %mul3A_832 = arith.constant 16 : i32
      %mul3A_833 = arith.muli %scan3A_10, %mul3A_832 : i32
      %swap3A = arith.index_cast %mul3A_833 : i32 to index
      %swap3A_834 = tpu.vector_load %arg8[%swap3A] {strides = array<i32>} : memref<512xf32, #tpu.memory_space<vmem>>, vector<16xf32>,
      %swap3A_835 = vector.shape_cast %swap3A_834 : vector<16xf32> to vector<16xf32>
      %swap3A_836 = vector.shape_cast %div3A_831 : vector<16xf32> to vector<16xf32>
      tpu.vector_store %arg8[%swap3A], %swap3A_836 {strides = array<i32>} : memref<512xf32, #tpu.memory_space<vmem>>, vector<16xf32>,
    }
    %scan3A_7 = arith.constant 32 : i32
    %mul3A_8 = arith.constant 512 : i32
    %mul3A_9 = arith.muli %add3A, %mul3A_8 : i32
    "tpu.region"() ({
      %run_scoped3A = tpu.sem_alloc : memref<!tpu.dma_semaphore, #tpu.memory_space<semaphore_mem>>
      %dma_start3A = tpu.memref_slice %arg4[%mul3A_9] : memref<16384xf32, #tpu.memory_space<hbm>> -> memref<512xf32, #tpu.memory_space<hbm>>
      %dma_start3A_10 = tpu.memref_slice %arg4[%mul3A_9] : memref<16384xf32, #tpu.memory_space<hbm>> -> memref<512xf32, #tpu.memory_space<hbm>>
      tpu.enqueue_dma source(%arg8 : memref<512xf32, #tpu.memory_space<vmem>>) target(%dma_start3A_10 : memref<512xf32, #tpu.memory_space<hbm>>) target_semaphore(%run_scoped3A : memref<!tpu.dma_semaphore, #tpu.memory_space<semaphore_mem>>)
      %dma_wait3A = tpu.memref_slice %arg4[%mul3A_9] : memref<16384xf32, #tpu.memory_space<hbm>> -> memref<512xf32, #tpu.memory_space<hbm>>
      %dma_wait3A_11 = tpu.memref_slice %arg4[%mul3A_9] : memref<16384xf32, #tpu.memory_space<hbm>> -> memref<512xf32, #tpu.memory_space<hbm>>
      tpu.wait_dma2 semaphore(%run_scoped3A : memref<!tpu.dma_semaphore, #tpu.memory_space<semaphore_mem>>) src(%arg8 : memref<512xf32, #tpu.memory_space<vmem>>) dst(%dma_wait3A_11 : memref<512xf32, #tpu.memory_space<hbm>>)
      tpu.yield
    }) : () -> ()
    return
  }
}

module attributes {stable_mosaic.version = 14 : i64} {
  func.func @_tc_compress_body(%arg0: i32, %arg1: memref<1x16xf32, #tpu.memory_space<vmem>>, %arg2: memref<1xf32, #tpu.memory_space<smem>>, %arg3: memref<16x65536xf32, #tpu.memory_space<vmem>>, %arg4: memref<65536xf32, #tpu.memory_space<vmem>>) attributes {dimension_semantics = [#tpu.dimension_semantics<arbitrary>], iteration_bounds = array<i64: 16>, scalar_prefetch = 0 : i64, scratch_operands = 0 : i64, tpu.core_type = #tpu.core_type<tc>, window_params = [{pipeline_mode = #tpu.pipeline_mode<synchronous>, transform_indices = @transform_0, window_bounds = array<i64: 1, 16>}, {transform_indices = @transform_1, window_bounds = array<i64: 1>}, {transform_indices = @transform_2, window_bounds = array<i64: 16, 65536>}, {transform_indices = @transform_3, window_bounds = array<i64: 65536>}]} {
    %get3A = arith.constant 0 : index
    %get3A_0 = arith.constant 0 : index
    %get3A_1 = vector.load %arg3[%get3A, %get3A_0] : memref<16x65536xf32, #tpu.memory_space<vmem>>, vector<16x65536xf32>
    %get3A_2 = arith.constant 0 : index
    %get3A_3 = arith.constant 0 : index
    %get3A_4 = vector.load %arg1[%get3A_2, %get3A_3] : memref<1x16xf32, #tpu.memory_space<vmem>>, vector<1x16xf32>
    %dot_general3A = arith.constant dense<0.000000e+00> : vector<1x65536xf32>
    %dot_general3A_5 = tpu.matmul %get3A_4, %get3A_1, %dot_general3A {dimension_numbers = #tpu.dot_dimension_numbers<[1], [0], [0], [1], [0, 0, 1, 1], [], []>, transpose_lhs_hint = false} : vector<1x16xf32>, vector<16x65536xf32>, vector<1x65536xf32> -> vector<1x65536xf32>
    %get3A_6 = arith.constant 0 : index
    %get3A_7 = memref.load %arg2[%get3A_6] : memref<1xf32, #tpu.memory_space<smem>>
    %add3A = vector.broadcast %get3A_7 : f32 to vector<1x65536xf32>
    %add3A_8 = arith.addf %dot_general3A_5, %add3A : vector<1x65536xf32>
    %reshape3A = vector.shape_cast %add3A_8 : vector<1x65536xf32> to vector<65536xf32>
    %swap3A = arith.constant 0 : index
    %swap3A_9 = vector.load %arg4[%swap3A] : memref<65536xf32, #tpu.memory_space<vmem>>, vector<65536xf32>
    tpu.vector_store %arg4[%swap3A], %reshape3A {strides = array<i32>} : memref<65536xf32, #tpu.memory_space<vmem>>, vector<65536xf32>,
    return
  }
  func.func @transform_0(%arg0: i32) -> (i32, i32) {
    %c0_i32 = arith.constant 0 : i32
    %c0_i32_0 = arith.constant 0 : i32
    %c0_i32_1 = arith.constant 0 : i32
    return %c0_i32, %c0_i32_0 : i32, i32
  }
  func.func @transform_1(%arg0: i32) -> i32 {
    %c0_i32 = arith.constant 0 : i32
    %c0_i32_0 = arith.constant 0 : i32
    return %c0_i32 : i32
  }
  func.func @transform_2(%arg0: i32) -> (i32, i32) {
    %c0_i32 = arith.constant 0 : i32
    %c0_i32_0 = arith.constant 0 : i32
    return %c0_i32, %arg0 : i32, i32
  }
  func.func @transform_3(%arg0: i32) -> i32 {
    %c0_i32 = arith.constant 0 : i32
    return %arg0 : i32
  }
}

</mosaic_0001>

<sc_bundles>
// kernel: kernel.4.cloned.1.call-start
scs
__scs_entry_jumppad:
0x0: {  	(pc) =	sbr.rel $0x88, $3  }
0x1: {  	(tag) =	ssettag $0x0;
	lr =	simm.s32 $0x1  }
0x2: {  	[smem:$0x3F9D] =	sst lr;
	_ =	strace $0xD0000000  }
0x3: {  	_ = 	snop  }
0x4: {  	_ = 	snop  }
0x5: {  	_ = 	snop  }
0x6: {  	_ = 	snop  }
0x7: {  	_ = 	snop  }
__scs_overlays_trampoline_lowered:
0x8: {  	[smem:$0x3FAC] =	sst s0  }
0x9: {  	[smem:$0x3FAD] =	sst s1  }
0xa: {  	[smem:$0x3FAE] =	sst s2  }
0xb: {  	[smem:$0x3FAF] =	sst s3  }
0xc: {  	[smem:$0x3FB0] =	sst s4  }
0xd: {  	[smem:$0x3FB1] =	sst s5  }
0xe: {  	[smem:$0x3FB2] =	sst s6  }
0xf: {  	[smem:$0x3FB3] =	sst s7  }
0x10: {  	[smem:$0x3FB4] =	sst s8  }
0x11: {  	[smem:$0x3FB5] =	sst s9;
	s0 =	simm.s32 @!p0 $0x0  }
0x12: {  	s1 =	sld [smem:$0x3F9B];
	s0 =	simm.s32 @p0 $0x1  }
0x13: {  	[smem:$0x3FB6] =	sst s0;
	s0 =	simm.s32 @!p1 $0x0  }
0x14: {  	s2 =	sld [smem:$0x3F9A];
	s0 =	simm.s32 @p1 $0x1  }
0x15: {  	[smem:$0x3FB7] =	sst s0;
	s0 =	simm.s32 @!p2 $0x0  }
0x16: {  	s3 =	sld [smem:$0x3FDB];
	s0 =	simm.s32 @p2 $0x1  }
0x17: {  	s4 =	simm.s32 $0x1BF5;
	[smem:$0x3FB9] =	sst s0  }
0x18: {  	s0 =	sld [smem:$0x3F9C];
	_ =	swait.ge [sflag:s4], $0x0  }
0x19: {  	s7 =	sld [smem:$0x3F9D]  }
0x1a: {  	s8 =	sadd.s32 $0xFFFFE003, lr  }
0x1b: {  	s9 =	sadd.s32 $0xFFFFFEF7, lr;
	s5 =	simm.s32 $0xFFFFFFFF;
	p2 =	slt.u32 s8, $0xFFFFF086  }
0x1c: {  	p1 =	slt.u32 s9, $0xF7A;
	s5 =	simm.s32 @!p2 $0x0  }
0x1d: {  	s5 =	simm.s32 @p1 $0x1;
	p0 =	seq.s32 s7, s2  }
0x1e: {  	s7 =	smul.u32 @!p0 $0xF7A, s2;
	p2 =	seq.s32 @!p0 s5, $0x0  }
0x1f: {  	s9 =	smul.u32 $0xF7A, s1;
	s8 =	simm.s32 @!p0 $0x1BF5;
	p2 =	por !p2, p0  }
0x20: {  	[sflag:s8] =	ssyncset.s32 @!p0 $0xFFFFF086;
	s6 =	sadd.s32 @!p0 s3, s7;
	s7 =	simm.s32 @!p0 $0x108  }
0x21: {  	s3 =	sadd.s32 s3, s9;
	s6 =	sadd.s32 @!p0 $0x88, s6;
	s7 =	simm.s32 @p2 $0x1082  }
0x22: {  	[simem:s7], [sflag:s8] =	dma.local @!p0 [hbm:s6], $0xF7A  }
0x23: {  	s9 =	sor.u32 $0xD0000000, s2;
	s6 =	simm.s32 $0x108;
	_ =	swait.ge @!p0 [sflag:s8], $0x0  }
0x24: {  	s3 =	sadd.s32 $0x88, s3;
	s6 =	simm.s32 @!p1 $0x1082;
	[sflag:s4] =	ssyncset.s32 $0xFFFFF086  }
0x25: {  	[simem:s6], [sflag:s4] =	dma.local [hbm:s3], $0xF7A  }
0x26: {  	[smem:$0x3F9D] =	sst s1;
	(tag) =	ssettag s2;
	_ =	strace s9  }
0x27: {  	s1 =	sld [smem:$0x3FAD]  }
0x28: {  	s2 =	sld [smem:$0x3FAE]  }
0x29: {  	s4 =	sld [smem:$0x3FB0]  }
0x2a: {  	p0 =	seq.s32 s5, $0x0;
	s5 =	sld [smem:$0x3FB1]  }
0x2b: {  	s6 =	sld [smem:$0x3FB2]  }
0x2c: {  	s7 =	sld [smem:$0x3FB3]  }
0x2d: {  	s3 =	simm.s32 $0x108;
	s8 =	sld [smem:$0x3FB4]  }
0x2e: {  	s3 =	simm.s32 @!p0 $0x1082;
	s9 =	sld [smem:$0x3FB5]  }
0x2f: {  	lr =	sadd.s32 s0, s3;
	s0 =	sld [smem:$0x3FAC]  }
0x30: {  	s3 =	sld [smem:$0x3FAF]  }
0x31: {  	[smem:$0x3FB8] =	sst s10  }
0x32: {  	s10 =	sld [smem:$0x3FB6];
	_ =	sdelay $0x3  }
0x33: {  	p0 =	seq.s32 s10, $0x1;
	s10 =	sld [smem:$0x3FB8];
	_ =	sdelay $0x3  }
0x34: {  	[smem:$0x3FB8] =	sst s10  }
0x35: {  	s10 =	sld [smem:$0x3FB7];
	_ =	sdelay $0x3  }
0x36: {  	p1 =	seq.s32 s10, $0x1;
	s10 =	sld [smem:$0x3FB8];
	_ =	sdelay $0x3  }
0x37: {  	[smem:$0x3FB8] =	sst s10  }
0x38: {  	s10 =	sld [smem:$0x3FB9]  }
0x39: {  	_ = 	snop;
	(pc) =	sbr.ind lr, $3  }
0x3a: {  	_ = 	snop  }
0x3b: {  	_ = 	snop  }
0x3c: {  	p2 =	seq.s32 s10, $0x1;
	s10 =	sld [smem:$0x3FB8]  }
0x3d: {  	_ =	shalt  }
0x3e: {  	_ =	shalt  }
0x3f: {  	_ =	shalt  }
0x40: {  	_ =	shalt  }
0x41: {  	_ =	shalt  }
0x42: {  	_ =	shalt  }
0x43: {  	_ =	shalt  }
0x44: {  	_ =	shalt  }
0x45: {  	_ =	shalt  }
0x46: {  	_ =	shalt  }
0x47: {  	_ =	shalt  }
0x48: {  	_ =	shalt  }
0x49: {  	_ =	shalt  }
0x4a: {  	_ =	shalt  }
0x4b: {  	_ =	shalt  }
0x4c: {  	_ =	shalt  }
0x4d: {  	_ =	shalt  }
0x4e: {  	_ =	shalt  }
0x4f: {  	_ =	shalt  }
0x50: {  	_ =	shalt  }
0x51: {  	_ =	shalt  }
0x52: {  	_ =	shalt  }
0x53: {  	_ =	shalt  }
0x54: {  	_ =	shalt  }
0x55: {  	_ =	shalt  }
0x56: {  	_ =	shalt  }
0x57: {  	_ =	shalt  }
0x58: {  	_ =	shalt  }
0x59: {  	_ =	shalt  }
0x5a: {  	_ =	shalt  }
0x5b: {  	_ =	shalt  }
0x5c: {  	_ =	shalt  }
0x5d: {  	_ =	shalt  }
0x5e: {  	_ =	shalt  }
0x5f: {  	_ =	shalt  }
0x60: {  	_ =	shalt  }
0x61: {  	_ =	shalt  }
0x62: {  	_ =	shalt  }
0x63: {  	_ =	shalt  }
0x64: {  	_ =	shalt  }
0x65: {  	_ =	shalt  }
0x66: {  	_ =	shalt  }
0x67: {  	_ =	shalt  }
0x68: {  	_ =	shalt  }
0x69: {  	_ =	shalt  }
0x6a: {  	_ =	shalt  }
0x6b: {  	_ =	shalt  }
0x6c: {  	_ =	shalt  }
0x6d: {  	_ =	shalt  }
0x6e: {  	_ =	shalt  }
0x6f: {  	_ =	shalt  }
0x70: {  	_ =	shalt  }
0x71: {  	_ =	shalt  }
0x72: {  	_ =	shalt  }
0x73: {  	_ =	shalt  }
0x74: {  	_ =	shalt  }
0x75: {  	_ =	shalt  }
0x76: {  	_ =	shalt  }
0x77: {  	_ =	shalt  }
0x78: {  	_ =	shalt  }
0x79: {  	_ =	shalt  }
0x7a: {  	_ =	shalt  }
0x7b: {  	_ =	shalt  }
0x7c: {  	_ =	shalt  }
0x7d: {  	_ =	shalt  }
0x7e: {  	_ =	shalt  }
0x7f: {  	_ =	shalt  }
0x80: {  	_ =	shalt  }
0x81: {  	_ =	shalt  }
0x82: {  	_ =	shalt  }
0x83: {  	_ =	shalt  }
0x84: {  	_ =	shalt  }
0x85: {  	_ =	shalt  }
0x86: {  	_ =	shalt  }
0x87: {  	_ =	shalt  }
.Lfunc_end0:
.L_simem_size_0:
called_computation_lowered:
.L_overlay_start_0:
0x88: {  	s2 =	sld [smem:$0x3FD9]  }
0x89: {  	s3 =	sld [smem:$0x3FFE];
	_ =	sdelay $0x1  }
0x8a: {  	s1 =	srdreg.scid  }
0x8b: {  	s0 =	sand.u32 $0x1, s1  }
0x8c: {  	s17 =	sshll.u32 s0, $0xA;
	s2 =	sadd.s32 s3, s2  }
0x8d: {  	s2 =	sadd.s32 s2, s17  }
0x8e: {  	[smem:$0x3FC4] =	sst s2  }
0x8f: {  	_ = 	snop  }
0x90: {  	s2 =	sld [smem:$0x3FD0];
	(tm) =	ssettm $0x1  }
0x91: {  	s18 =	sld [smem:$0x3FFB];
	_ =	sdelay $0x3  }
0x92: {  	_ =	strace s18  }
0x93: {  	s3 =	sld [smem:$0x3FFC];
	_ =	sdelay $0x3  }
0x94: {  	_ =	strace s3  }
0x95: {  	s3 =	sld [smem:$0x3FFD];
	_ =	sdelay $0x3  }
0x96: {  	_ =	strace s3  }
0x97: {  	_ =	strace $0x8FFFFFFF  }
0x98: {  	s19 =	sld [smem:$0x3FDB];
	_ =	sdelay $0x1  }
0x99: {  	s4 =	simm.s32 $_scs_section_size  }
0x9a: {  	s5 =	simm.s32 $_size__tile_overlayer_lowered;
	s6 =	simm.s32 $_tile_overlayer_lowered  }
0x9b: {  	s22 =	simm.s32 $0x1BFF;
	s21 =	sshll.u32 s6, $0x1;
	s3 =	sadd.s32 s4, s19  }
0x9c: {  	s7 =	simm.s32 $0x0;
	s20 =	sshll.u32 s5, $0x1;
	s5 =	sadd.s32 s21, s3  }
0x9d: {  	[timem:s7], [sflag:s22] =	dma.local [hbm:s5], s20  }
0x9e: {  	_ =	swait.ge [sflag:s22], s20  }
0x9f: {  	s4 =	ssub.s32 $0x0, s20;
	[sflag:s22] =	ssyncset.done $0x0  }
0xa0: {  	[sflag:s22] =	ssyncadd.s32 s4;
	_ =	sdelay $0x1  }
0xa1: {  	s23 =	simm.s32 $0x1B8B  }
0xa2: {  	_ =	swait.ge [sflag:s23], $0x1  }
0xa3: {  	[sflag:s23] =	ssyncset.done $0x0  }
0xa4: {  	s25 =	simm.s32 $0x1B8E;
	s24 =	sld [smem:$0x3FFE];
	[sflag:s23] =	ssyncadd.s32 $0xFFFFFFFF  }
0xa5: {  	s26 =	simm.s32 $execute0_lowered;
	[smem:$0x3FD2] =	sst s25  }
0xa6: {  	s5 =	sshll.u32 s26, $0x1;
	_ =	strace $0x80000046;
	[dreg:$0x1] =	wrdreg $0xFFFFFFFF  }
0xa7: {  	s28 =	simm.s32 $_size_execute0_lowered;
	s3 =	sadd.s32 s3, s5;
	[dreg:$0x0] =	wrdreg $0x0  }
0xa8: {  	s5 =	sshll.u32 s28, $0x1;
	[dreg:$0x2] =	wrdreg s3  }
0xa9: {  	[dreg:$0x3] =	wrdreg s5  }
0xaa: {  	[dreg:$0x4] =	wrdreg $0xC0  }
0xab: {  	_ =	task [dreg:s7], $0x5FFFF  }
0xac: {  	[dreg:$0x1] =	wrdreg $0xFFFFFFFF  }
0xad: {  	[dreg:$0x0] =	wrdreg $0x60  }
0xae: {  	[dreg:$0x2] =	wrdreg s24  }
0xaf: {  	[dreg:$0x3] =	wrdreg s2  }
0xb0: {  	[dreg:$0x4] =	wrdreg $0x0  }
0xb1: {  	[dreg:$0x5] =	wrdreg $0x9  }
0xb2: {  	_ =	task.clear_ibuf [dreg:s7], $0x6FFFF;
	_ =	strace $0x90000046  }
0xb3: {  	s29 =	simm.s32 $0x9;
	_ =	strace $0x80000048  }
0xb4: {  	_ =	swait.ge [sflag:s29], $0x1  }
0xb5: {  	[sflag:s29] =	ssyncadd.s32 $0xFFFFFFFF  }
0xb6: {  	_ =	strace $0x90000048  }
0xb7: {  	_ =	sfence  }
0xb8: {  	s30 =	sld [smem:$0x0];
	_ =	sdelay $0x2  }
0xb9: {  	s31 =	sshll.u32 s1, $0xD;
	s1 =	sshrl.u32 s1, $0x2  }
0xba: {  	s3 =	sand.u32 $0x4000, s31;
	s1 =	sadd.s32 s1, s30  }
0xbb: {  	s0 =	sor.u32 s3, s0;
	s1 =	sshll.u32 s1, $0x11  }
0xbc: {  	s0 =	sor.u32 s1, s0  }
0xbd: {  	s0 =	sadd.s32 $0x8F2B, s0  }
0xbe: {  	[sflag:s0] =	ssyncadd.remote.s32 $0x1  }
0xbf: {  	_ =	sfence.sel $0xFFFF  }
0xc0: {  	[dreg:$0x0] =	wrdreg $0xFFFFFFFF;
	(pc) =	sbr.abs _section_cstart, $3  }
0xc1: {  	[dreg:$0x1] =	wrdreg $0xFFFFFFFF  }
0xc2: {  	_ =	task.clear_ibuf [dreg:s7], $0x2FFFF;
	_ =	strace $0x9FFFFFFF  }
0xc3: {  	(tm) =	ssettm $0x7FFFFFFF  }
tec
execute0_lowered:
.L_overlay_start_1:
0x0: {  	(tag) =	ssettag $0x1  }
0x1: {  	s4 =	rddreg [dreg:$0x0]  }
0x2: {  	s5 =	rddreg [dreg:$0x1]  }
0x3: {  	s1 =	rddreg [dreg:$0x2]  }
0x4: {  	s0 =	rddreg [dreg:$0x3]  }
0x5: {  	s2 =	simm.s32 $0x0;
	s3 =	srdreg.scid;
	s6 =	stileid.u32  }
0x6: {  	s12 =	simm.s32 $0x2;
	s13 =	simm.s32 $0xC80;
	s14 =	simm.s32 $0x10C80  }
0x7: {  	s15 =	simm.s32 $0x1;
	s16 =	simm.s32 $0x11900;
	s17 =	simm.s32 $0x0  }
0x8: {  	[smem:$0x7FF] =	sst s2;
	s7 =	sand.u32 $0x1, s3;
	s9 =	sshll.u32 s6, $0x7  }
0x9: {  	s3 =	sadd.s32 $0x64800, s4;
	s4 =	sadd.s32 $0x800, s4;
	s31 =	sshll.u32 s6, $0x6  }
0xa: {  	p0 =	sne.s32 s6, $0x0;
	_ =	strace $0x80000047;
	s8 =	ssub.s32 $0x2, s7  }
0xb: {  	s10 =	sshll.u32 s7, $0x6;
	s7 =	sshll.u32 s7, $0x5;
	s11 =	sshrl.u32 s8, $0x1  }
0xc: {  	s9 =	sor.u32 s10, s9;
	s7 =	sor.u32 s7, s31;
	s10 =	simm.s32 $0x400  }
0xd: {  	s8 =	ssub.s32 s8, s11;
	s5 =	sadd.s32 s5, s9;
	s9 =	simm.s32 $0x80  }
0xe: {  	s11 =	simm.s32 $0x10000;
	s6 =	smax.u32 s8, $0x1;
	s8 =	sshrl.u32 @!p0 s1, $0x3  }
.LBB2_1:
0xf: {  	s18 =	simm.s32 @!p0 $0x1C02  }
0x10: {  	[spmem:s8], [sflag:s18] =	dma.local @!p0 [hbm:s3], $0x20000  }
0x11: {  	s18 =	simm.s32 @!p0 $0x2  }
0x12: {  	_ =	swait.ge @!p0 [sflag:s18], $0x20000  }
0x13: {  	[sflag:s18] =	ssyncset.done @!p0 $0x0  }
0x14: {  	s19 =	simm.s32 $0x11900;
	[sflag:s18] =	ssyncadd.s32 @!p0 $0xFFFE0000  }
0x15: {  	s20 =	simm.s32 $0x0;
	s18 =	smov.u32 s7;
	[bflag:$0x0] =	sbarrier.arrive $0xFFFF  }
.LBB2_2:
0x16: {  	s21 =	sshrl.u32 s18, $0x3  }
0x17: {  	s21 =	smul.u32 $0x6400, s21  }
0x18: {  	s22 =	sand.u32 $0x380, s20  }
0x19: {  	s21 =	sor.u32 s22, s21  }
0x1a: {  	s21 =	sshrl.u32 s21, $0x3  }
0x1b: {  	s21 =	sadd.s32 s4, s21  }
0x1c: {  	[tilespmem:s11], [sflag:$0x2] =	stream.strided.gather [hbm4b:s21+s9], $0xC80, s10, s9, $0x38;
	[tilespmem:$0x11B00] =	vst v63  }
0x1d: {  	_ =	swait.ge [sflag:s12], $0xC80  }
0x1e: {  	[sflag:s12] =	ssyncset.done $0x0  }
0x1f: {  	[sflag:s12] =	ssyncadd.s32 $0xFFFFF380  }
0x20: {  	[tilespmem:s14], [sflag:$0x1] =	stream.indirect.gather [spmem:s1], $0x1, s11, s13, $0xb8;
	[tilespmem:$0x11B00] =	vst v63  }
0x21: {  	_ =	swait.ge [sflag:s15], $0xC80  }
0x22: {  	[sflag:s15] =	ssyncset.done $0x0  }
0x23: {  	[sflag:s15] =	ssyncadd.s32 $0xFFFFF380  }
0x24: {  	v0 =	vld [tilespmem:$0x11060];
	_ =	sdelay $0x4  }
0x25: {  	[tilespmem:$0x1FD40] =	vst v0;
	v0 =	vld [tilespmem:$0x11080];
	_ =	sdelay $0x4  }
0x26: {  	[tilespmem:$0x1FD50] =	vst v0;
	v0 =	vld [tilespmem:$0x11090];
	_ =	sdelay $0x4  }
0x27: {  	[tilespmem:$0x1FD60] =	vst v0;
	v0 =	vld [tilespmem:$0x110A0];
	_ =	sdelay $0x4  }
0x28: {  	[tilespmem:$0x1FD70] =	vst v0;
	v0 =	vld [tilespmem:$0x110B0];
	_ =	sdelay $0x4  }
0x29: {  	[tilespmem:$0x1FD80] =	vst v0;
	v0 =	vld [tilespmem:$0x110C0];
	_ =	sdelay $0x4  }
0x2a: {  	[tilespmem:$0x1FD90] =	vst v0;
	v0 =	vld [tilespmem:$0x110D0];
	_ =	sdelay $0x4  }
0x2b: {  	[tilespmem:$0x1FDA0] =	vst v0;
	v0 =	vld [tilespmem:$0x110E0];
	_ =	sdelay $0x4  }
0x2c: {  	[tilespmem:$0x1FDB0] =	vst v0;
	v0 =	vld [tilespmem:$0x110F0];
	_ =	sdelay $0x4  }
0x2d: {  	[tilespmem:$0x1FDC0] =	vst v0;
	v0 =	vld [tilespmem:$0x11100];
	_ =	sdelay $0x4  }
0x2e: {  	[tilespmem:$0x1FDD0] =	vst v0;
	v0 =	vld [tilespmem:$0x11110];
	_ =	sdelay $0x4  }
0x2f: {  	[tilespmem:$0x1FDE0] =	vst v0;
	v0 =	vld [tilespmem:$0x11120];
	_ =	sdelay $0x4  }
0x30: {  	[tilespmem:$0x1FDF0] =	vst v0;
	v0 =	vld [tilespmem:$0x11130];
	_ =	sdelay $0x4  }
0x31: {  	[tilespmem:$0x1FE00] =	vst v0;
	v0 =	vld [tilespmem:$0x11140];
	_ =	sdelay $0x4  }
0x32: {  	[tilespmem:$0x1FE10] =	vst v0;
	v0 =	vld [tilespmem:$0x11150];
	_ =	sdelay $0x4  }
0x33: {  	[tilespmem:$0x1FE20] =	vst v0;
	v0 =	vld [tilespmem:$0x11160];
	_ =	sdelay $0x4  }
0x34: {  	[tilespmem:$0x1FE30] =	vst v0;
	v0 =	vld [tilespmem:$0x11170];
	_ =	sdelay $0x4  }
0x35: {  	[tilespmem:$0x1FE40] =	vst v0;
	v0 =	vld [tilespmem:$0x11180];
	_ =	sdelay $0x4  }
0x36: {  	[tilespmem:$0x1FE50] =	vst v0;
	v0 =	vld [tilespmem:$0x11190];
	_ =	sdelay $0x1  }
0x37: {  	v2 =	vld [tilespmem:$0x10C80]  }
0x38: {  	v5 =	vld [tilespmem:$0x10C90]  }
0x39: {  	v10 =	vld [tilespmem:$0x10CA0]  }
0x3a: {  	[tilespmem:$0x1FE60] =	vst v0;
	v0 =	vld [tilespmem:$0x111A0]  }
0x3b: {  	v13 =	vld [tilespmem:$0x10CB0]  }
0x3c: {  	v16 =	vld [tilespmem:$0x10CC0]  }
0x3d: {  	v21 =	vld [tilespmem:$0x10CD0]  }
0x3e: {  	v24 =	vld [tilespmem:$0x10CE0]  }
0x3f: {  	[tilespmem:$0x1FE70] =	vst v0;
	v0 =	vld [tilespmem:$0x111B0]  }
0x40: {  	v29 =	vld [tilespmem:$0x10CF0]  }
0x41: {  	v32 =	vld [tilespmem:$0x10D00]  }
0x42: {  	v37 =	vld [tilespmem:$0x10D10]  }
0x43: {  	v40 =	vld [tilespmem:$0x10D20]  }
0x44: {  	[tilespmem:$0x1FE80] =	vst v0;
	v0 =	vld [tilespmem:$0x111C0]  }
0x45: {  	v45 =	vld [tilespmem:$0x10D30]  }
0x46: {  	v48 =	vld [tilespmem:$0x10D40]  }
0x47: {  	v53 =	vld [tilespmem:$0x10D50]  }
0x48: {  	v56 =	vld [tilespmem:$0x10D60]  }
0x49: {  	[tilespmem:$0x1FE90] =	vst v0;
	v0 =	vld [tilespmem:$0x111D0]  }
0x4a: {  	v61 =	vld [tilespmem:$0x10D70]  }
0x4b: {  	v3 =	vld [tilespmem:$0x10D80]  }
0x4c: {  	v1 =	vld [tilespmem:$0x10D90]  }
0x4d: {  	v6 =	vld [tilespmem:$0x10DA0]  }
0x4e: {  	[tilespmem:$0x1FEA0] =	vst v0;
	v0 =	vld [tilespmem:$0x111E0]  }
0x4f: {  	v4 =	vld [tilespmem:$0x10DB0]  }
0x50: {  	v8 =	vld [tilespmem:$0x10DC0]  }
0x51: {  	v7 =	vld [tilespmem:$0x10DD0]  }
0x52: {  	v11 =	vld [tilespmem:$0x10DE0]  }
0x53: {  	[tilespmem:$0x1FEB0] =	vst v0;
	v0 =	vld [tilespmem:$0x111F0]  }
0x54: {  	v9 =	vld [tilespmem:$0x10DF0]  }
0x55: {  	v14 =	vld [tilespmem:$0x10E00]  }
0x56: {  	v12 =	vld [tilespmem:$0x10E10]  }
0x57: {  	v17 =	vld [tilespmem:$0x10E20]  }
0x58: {  	[tilespmem:$0x1FEC0] =	vst v0;
	v0 =	vld [tilespmem:$0x11200]  }
0x59: {  	v15 =	vld [tilespmem:$0x10E30]  }
0x5a: {  	v19 =	vld [tilespmem:$0x10E40]  }
0x5b: {  	v18 =	vld [tilespmem:$0x10E50]  }
0x5c: {  	v22 =	vld [tilespmem:$0x10E60]  }
0x5d: {  	[tilespmem:$0x1FED0] =	vst v0;
	v0 =	vld [tilespmem:$0x11210]  }
0x5e: {  	v20 =	vld [tilespmem:$0x10E70]  }
0x5f: {  	v25 =	vld [tilespmem:$0x10E80]  }
0x60: {  	v23 =	vld [tilespmem:$0x10E90]  }
0x61: {  	v27 =	vld [tilespmem:$0x10EA0]  }
0x62: {  	[tilespmem:$0x1FEE0] =	vst v0;
	v0 =	vld [tilespmem:$0x11220]  }
0x63: {  	v26 =	vld [tilespmem:$0x10EB0]  }
0x64: {  	v30 =	vld [tilespmem:$0x10EC0]  }
0x65: {  	v28 =	vld [tilespmem:$0x10ED0]  }
0x66: {  	v33 =	vld [tilespmem:$0x10EE0]  }
0x67: {  	[tilespmem:$0x1FEF0] =	vst v0;
	v0 =	vld [tilespmem:$0x11230]  }
0x68: {  	v31 =	vld [tilespmem:$0x10EF0]  }
0x69: {  	v35 =	vld [tilespmem:$0x10F00]  }
0x6a: {  	v34 =	vld [tilespmem:$0x10F10]  }
0x6b: {  	v38 =	vld [tilespmem:$0x10F20]  }
0x6c: {  	[tilespmem:$0x1FF00] =	vst v0;
	v0 =	vld [tilespmem:$0x11240]  }
0x6d: {  	v36 =	vld [tilespmem:$0x10F30]  }
0x6e: {  	v41 =	vld [tilespmem:$0x10F40]  }
0x6f: {  	v39 =	vld [tilespmem:$0x10F50]  }
0x70: {  	v43 =	vld [tilespmem:$0x10F60]  }
0x71: {  	[tilespmem:$0x1FF10] =	vst v0;
	v0 =	vld [tilespmem:$0x11250]  }
0x72: {  	v42 =	vld [tilespmem:$0x10F70]  }
0x73: {  	v46 =	vld [tilespmem:$0x10F80]  }
0x74: {  	v44 =	vld [tilespmem:$0x10F90]  }
0x75: {  	v49 =	vld [tilespmem:$0x10FA0]  }
0x76: {  	[tilespmem:$0x1FF20] =	vst v0;
	v0 =	vld [tilespmem:$0x11260]  }
0x77: {  	v47 =	vld [tilespmem:$0x10FB0]  }
0x78: {  	v51 =	vld [tilespmem:$0x10FC0]  }
0x79: {  	v50 =	vld [tilespmem:$0x10FD0]  }
0x7a: {  	v54 =	vld [tilespmem:$0x10FE0]  }
0x7b: {  	[tilespmem:$0x1FF30] =	vst v0;
	v0 =	vld [tilespmem:$0x11270]  }
0x7c: {  	v52 =	vld [tilespmem:$0x10FF0]  }
0x7d: {  	v62 =	vld [tilespmem:$0x11000]  }
0x7e: {  	v63 =	vld [tilespmem:$0x11010]  }
0x7f: {  	v59 =	vld [tilespmem:$0x11020]  }
0x80: {  	[tilespmem:$0x1FF40] =	vst v0;
	v0 =	vld [tilespmem:$0x11280]  }
0x81: {  	v60 =	vld [tilespmem:$0x11030]  }
0x82: {  	v57 =	vld [tilespmem:$0x11040]  }
0x83: {  	v58 =	vld [tilespmem:$0x11050]  }
0x84: {  	v55 =	vld [tilespmem:$0x11070];
	v2 =	vadd.f32 $0.0e+00, v2  }
0x85: {  	v5 =	vadd.f32 $0.0e+00, v5;
	[tilespmem:$0x1FF50] =	vst v0;
	v0 =	vld [tilespmem:$0x11290]  }
0x86: {  	v10 =	vadd.f32 $0.0e+00, v10;
	v2 =	vadd.f32 v16, v2;
	v16 =	vld [tilespmem:$0x11340]  }
0x87: {  	v5 =	vadd.f32 v21, v5;
	v21 =	vld [tilespmem:$0x11350]  }
0x88: {  	v10 =	vadd.f32 v24, v10;
	v24 =	vld [tilespmem:$0x11360]  }
0x89: {  	v2 =	vadd.f32 v32, v2;
	v32 =	vld [tilespmem:$0x11380]  }
0x8a: {  	[tilespmem:$0x1FF60] =	vst v0;
	v0 =	vld [tilespmem:$0x112A0]  }
0x8b: {  	v5 =	vadd.f32 v37, v5;
	v37 =	vld [tilespmem:$0x11390]  }
0x8c: {  	v10 =	vadd.f32 v40, v10;
	v40 =	vld [tilespmem:$0x113A0]  }
0x8d: {  	v2 =	vadd.f32 v48, v2;
	v48 =	vld [tilespmem:$0x113C0]  }
0x8e: {  	v5 =	vadd.f32 v53, v5;
	v53 =	vld [tilespmem:$0x113D0]  }
0x8f: {  	v10 =	vadd.f32 v56, v10;
	[tilespmem:$0x1FF70] =	vst v0;
	v0 =	vld [tilespmem:$0x112B0]  }
0x90: {  	v56 =	vld [tilespmem:$0x113E0]  }
0x91: {  	v1 =	vadd.f32 v1, v5;
	v10 =	vadd.f32 v6, v10;
	v5 =	vld [tilespmem:$0x11410]  }
0x92: {  	v2 =	vadd.f32 v3, v2;
	v6 =	vld [tilespmem:$0x11430]  }
0x93: {  	v1 =	vadd.f32 v7, v1;
	v3 =	vadd.f32 v11, v10;
	v10 =	vld [tilespmem:$0x11400]  }
0x94: {  	[tilespmem:$0x1FF80] =	vst v0;
	v0 =	vld [tilespmem:$0x112C0]  }
0x95: {  	v7 =	vld [tilespmem:$0x11440];
	v1 =	vadd.f32 v12, v1  }
0x96: {  	v2 =	vadd.f32 v8, v2;
	v8 =	vld [tilespmem:$0x11450];
	v3 =	vadd.f32 v17, v3  }
0x97: {  	v11 =	vld [tilespmem:$0x11470];
	v1 =	vadd.f32 v18, v1  }
0x98: {  	v12 =	vld [tilespmem:$0x11480];
	v3 =	vadd.f32 v22, v3  }
0x99: {  	v1 =	vadd.f32 v23, v1;
	[tilespmem:$0x1FF90] =	vst v0;
	v0 =	vld [tilespmem:$0x112D0]  }
0x9a: {  	v2 =	vadd.f32 v14, v2;
	v14 =	vld [tilespmem:$0x11490];
	v3 =	vadd.f32 v27, v3  }
0x9b: {  	v17 =	vld [tilespmem:$0x114B0];
	v1 =	vadd.f32 v28, v1  }
0x9c: {  	v18 =	vld [tilespmem:$0x114C0];
	v3 =	vadd.f32 v33, v3  }
0x9d: {  	v2 =	vadd.f32 v19, v2;
	v19 =	vld [tilespmem:$0x114D0];
	v1 =	vadd.f32 v34, v1  }
0x9e: {  	v3 =	vadd.f32 v38, v3;
	[tilespmem:$0x1FFA0] =	vst v0;
	v0 =	vld [tilespmem:$0x112E0]  }
0x9f: {  	v22 =	vld [tilespmem:$0x114F0];
	v1 =	vadd.f32 v39, v1  }
0xa0: {  	v25 =	vadd.f32 v25, v2;
	v2 =	vld [tilespmem:$0x11420];
	v3 =	vadd.f32 v43, v3  }
0xa1: {  	v23 =	vld [tilespmem:$0x11500];
	v1 =	vadd.f32 v44, v1  }
0xa2: {  	v27 =	vld [tilespmem:$0x11530];
	v3 =	vadd.f32 v49, v3  }
0xa3: {  	v1 =	vadd.f32 v50, v1;
	[tilespmem:$0x1FFB0] =	vst v0;
	v0 =	vld [tilespmem:$0x112F0]  }
0xa4: {  	v28 =	vld [tilespmem:$0x11540];
	v3 =	vadd.f32 v54, v3  }
0xa5: {  	v54 =	vld [tilespmem:$0x1FD40];
	v1 =	vadd.f32 v63, v1  }
0xa6: {  	v3 =	vadd.f32 v59, v3;
	v59 =	vld [tilespmem:$0x1FD80]  }
0xa7: {  	v1 =	vadd.f32 v58, v1;
	v58 =	vld [tilespmem:$0x1FD70]  }
0xa8: {  	[tilespmem:$0x1FFC0] =	vst v0;
	v0 =	vld [tilespmem:$0x11300]  }
0xa9: {  	v63 =	vld [tilespmem:$0x1FDB0]  }
0xaa: {  	v33 =	vld [tilespmem:$0x1FDC0]  }
0xab: {  	v34 =	vld [tilespmem:$0x1FDD0]  }
0xac: {  	v38 =	vld [tilespmem:$0x1FE00]  }
0xad: {  	[tilespmem:$0x1FFD0] =	vst v0;
	v0 =	vld [tilespmem:$0x11310]  }
0xae: {  	v39 =	vld [tilespmem:$0x1FE10]  }
0xaf: {  	v43 =	vld [tilespmem:$0x1FE40]  }
0xb0: {  	v44 =	vld [tilespmem:$0x1FE50]  }
0xb1: {  	v49 =	vld [tilespmem:$0x1FE80]  }
0xb2: {  	v3 =	vadd.f32 v54, v3;
	v50 =	vld [tilespmem:$0x1FE90];
	[tilespmem:$0x1FFE0] =	vst v0;
	v0 =	vadd.f32 $0.0e+00, v13  }
0xb3: {  	v54 =	vld [tilespmem:$0x1FEC0]  }
0xb4: {  	v3 =	vadd.f32 v58, v3;
	v13 =	vld [tilespmem:$0x11320];
	v0 =	vadd.f32 v29, v0  }
0xb5: {  	v58 =	vld [tilespmem:$0x1FEF0]  }
0xb6: {  	v3 =	vadd.f32 v63, v3;
	v63 =	vld [tilespmem:$0x1FF30];
	v0 =	vadd.f32 v45, v0  }
0xb7: {  	v29 =	vld [tilespmem:$0x11370]  }
0xb8: {  	v45 =	vld [tilespmem:$0x113B0];
	v0 =	vadd.f32 v61, v0  }
0xb9: {  	[tilespmem:$0x1FFF0] =	vst v13;
	v13 =	vld [tilespmem:$0x11330]  }
0xba: {  	v61 =	vld [tilespmem:$0x113F0];
	v0 =	vadd.f32 v4, v0  }
0xbb: {  	v4 =	vadd.f32 v30, v25;
	v25 =	vld [tilespmem:$0x11510]  }
0xbc: {  	v30 =	vld [tilespmem:$0x11550];
	v0 =	vadd.f32 v9, v0  }
0xbd: {  	v4 =	vadd.f32 v35, v4;
	v9 =	vld [tilespmem:$0x11460]  }
0xbe: {  	v35 =	vld [tilespmem:$0x1FDE0];
	v0 =	vadd.f32 v15, v0  }
0xbf: {  	v4 =	vadd.f32 v41, v4;
	v15 =	vld [tilespmem:$0x114A0]  }
0xc0: {  	v41 =	vld [tilespmem:$0x1FE20];
	v0 =	vadd.f32 v20, v0  }
0xc1: {  	v4 =	vadd.f32 v46, v4;
	v20 =	vld [tilespmem:$0x114E0]  }
0xc2: {  	v46 =	vld [tilespmem:$0x1FE60];
	v0 =	vadd.f32 v26, v0  }
0xc3: {  	v4 =	vadd.f32 v51, v4;
	v26 =	vld [tilespmem:$0x11520]  }
0xc4: {  	v51 =	vld [tilespmem:$0x1FEA0];
	v0 =	vadd.f32 v31, v0  }
0xc5: {  	v4 =	vadd.f32 v62, v4;
	v62 =	vld [tilespmem:$0x1FDA0]  }
0xc6: {  	v0 =	vadd.f32 v36, v0;
	v36 =	vld [tilespmem:$0x1FDF0]  }
0xc7: {  	v4 =	vadd.f32 v57, v4;
	v57 =	vld [tilespmem:$0x1FD60]  }
0xc8: {  	v31 =	vld [tilespmem:$0x11560];
	v0 =	vadd.f32 v42, v0  }
0xc9: {  	v42 =	vld [tilespmem:$0x1FE30]  }
0xca: {  	v0 =	vadd.f32 v47, v0;
	v47 =	vld [tilespmem:$0x1FE70]  }
0xcb: {  	v3 =	vadd.f32 v36, v3;
	v36 =	vld [tilespmem:$0x115A0]  }
0xcc: {  	v1 =	vadd.f32 v57, v1;
	v57 =	vld [tilespmem:$0x1FEE0]  }
0xcd: {  	v0 =	vadd.f32 v52, v0;
	v52 =	vld [tilespmem:$0x1FEB0]  }
0xce: {  	v3 =	vadd.f32 v42, v3;
	v42 =	vld [tilespmem:$0x115E0]  }
0xcf: {  	v1 =	vadd.f32 v62, v1;
	v62 =	vld [tilespmem:$0x1FF20]  }
0xd0: {  	v0 =	vadd.f32 v60, v0;
	v60 =	vld [tilespmem:$0x1FD90]  }
0xd1: {  	v1 =	vadd.f32 v35, v1;
	v35 =	vld [tilespmem:$0x11590]  }
0xd2: {  	v3 =	vadd.f32 v47, v3;
	v47 =	vld [tilespmem:$0x11620]  }
0xd3: {  	v0 =	vadd.f32 v55, v0;
	v55 =	vld [tilespmem:$0x1FD50]  }
0xd4: {  	v1 =	vadd.f32 v41, v1;
	v41 =	vld [tilespmem:$0x115D0]  }
0xd5: {  	v3 =	vadd.f32 v52, v3;
	v52 =	vld [tilespmem:$0x1FF70]  }
0xd6: {  	v0 =	vadd.f32 v59, v0;
	v59 =	vld [tilespmem:$0x1FF00]  }
0xd7: {  	v1 =	vadd.f32 v46, v1;
	v46 =	vld [tilespmem:$0x11610]  }
0xd8: {  	v3 =	vadd.f32 v58, v3;
	v58 =	vld [tilespmem:$0x1FFB0]  }
0xd9: {  	v0 =	vadd.f32 v33, v0;
	v33 =	vld [tilespmem:$0x11570]  }
0xda: {  	v4 =	vadd.f32 v55, v4;
	v55 =	vld [tilespmem:$0x1FED0]  }
0xdb: {  	v1 =	vadd.f32 v51, v1;
	v51 =	vld [tilespmem:$0x1FF60]  }
0xdc: {  	v3 =	vadd.f32 v63, v3;
	v63 =	vld [tilespmem:$0x1FFF0];
	v4 =	vadd.f32 v60, v4  }
0xdd: {  	v0 =	vadd.f32 v38, v0;
	v38 =	vld [tilespmem:$0x115B0]  }
0xde: {  	v60 =	vld [tilespmem:$0x1FF10];
	v4 =	vadd.f32 v34, v4  }
0xdf: {  	v1 =	vadd.f32 v57, v1;
	v3 =	vadd.f32 v52, v3;
	v57 =	vld [tilespmem:$0x1FFA0]  }
0xe0: {  	v52 =	vld [tilespmem:$0x116B0];
	v0 =	vadd.f32 v43, v0;
	v4 =	vadd.f32 v39, v4  }
0xe1: {  	v43 =	vld [tilespmem:$0x115F0]  }
0xe2: {  	v34 =	vld [tilespmem:$0x11580];
	v0 =	vadd.f32 v49, v0;
	v4 =	vadd.f32 v44, v4  }
0xe3: {  	v49 =	vld [tilespmem:$0x1FF40]  }
0xe4: {  	v0 =	vadd.f32 v54, v0;
	v54 =	vld [tilespmem:$0x1FF80];
	v4 =	vadd.f32 v50, v4  }
0xe5: {  	v50 =	vld [tilespmem:$0x1FF50]  }
0xe6: {  	v0 =	vadd.f32 v59, v0;
	v59 =	vld [tilespmem:$0x1FFC0];
	v4 =	vadd.f32 v55, v4  }
0xe7: {  	v1 =	vadd.f32 v62, v1;
	v3 =	vadd.f32 v58, v3;
	v55 =	vld [tilespmem:$0x1FF90]  }
0xe8: {  	v62 =	vld [tilespmem:$0x1FFE0];
	v0 =	vadd.f32 v49, v0;
	v4 =	vadd.f32 v60, v4  }
0xe9: {  	v1 =	vadd.f32 v51, v1;
	v3 =	vadd.f32 v63, v3;
	v60 =	vld [tilespmem:$0x1FFD0]  }
0xea: {  	v58 =	vld [tilespmem:$0x11710];
	v0 =	vadd.f32 v54, v0;
	v4 =	vadd.f32 v50, v4  }
0xeb: {  	v39 =	vld [tilespmem:$0x115C0];
	v1 =	vadd.f32 v57, v1;
	v3 =	vadd.f32 v24, v3  }
0xec: {  	v51 =	vld [tilespmem:$0x11650];
	v0 =	vadd.f32 v59, v0;
	v4 =	vadd.f32 v55, v4  }
0xed: {  	v63 =	vld [tilespmem:$0x11760];
	v1 =	vadd.f32 v62, v1;
	v3 =	vadd.f32 v40, v3  }
0xee: {  	v44 =	vld [tilespmem:$0x11600];
	v0 =	vadd.f32 v13, v0;
	v4 =	vadd.f32 v60, v4  }
0xef: {  	v24 =	vld [tilespmem:$0x11690];
	v1 =	vadd.f32 v21, v1;
	v3 =	vadd.f32 v56, v3  }
0xf0: {  	v57 =	vld [tilespmem:$0x11700];
	v0 =	vadd.f32 v29, v0;
	v4 =	vadd.f32 v16, v4  }
0xf1: {  	v62 =	vld [tilespmem:$0x11750];
	v1 =	vadd.f32 v37, v1;
	v2 =	vadd.f32 v2, v3  }
0xf2: {  	v40 =	vld [tilespmem:$0x117A0];
	v0 =	vadd.f32 v45, v0;
	v4 =	vadd.f32 v32, v4  }
0xf3: {  	v49 =	vld [tilespmem:$0x11630];
	v1 =	vadd.f32 v53, v1;
	v2 =	vadd.f32 v9, v2  }
0xf4: {  	v21 =	vld [tilespmem:$0x11680];
	v0 =	vadd.f32 v61, v0;
	v4 =	vadd.f32 v48, v4  }
0xf5: {  	v56 =	vld [tilespmem:$0x116F0];
	v1 =	vadd.f32 v5, v1;
	v2 =	vadd.f32 v15, v2  }
0xf6: {  	v54 =	vld [tilespmem:$0x116D0];
	v0 =	vadd.f32 v6, v0;
	v4 =	vadd.f32 v10, v4  }
0xf7: {  	v59 =	vld [tilespmem:$0x11720];
	v1 =	vadd.f32 v8, v1;
	v2 =	vadd.f32 v20, v2  }
0xf8: {  	v50 =	vld [tilespmem:$0x11640];
	v0 =	vadd.f32 v11, v0;
	v4 =	vadd.f32 v7, v4  }
0xf9: {  	v53 =	vld [tilespmem:$0x116C0];
	v1 =	vadd.f32 v14, v1;
	v2 =	vadd.f32 v26, v2  }
0xfa: {  	v13 =	vld [tilespmem:$0x11660];
	v0 =	vadd.f32 v17, v0;
	v4 =	vadd.f32 v12, v4  }
0xfb: {  	v55 =	vld [tilespmem:$0x116E0];
	v1 =	vadd.f32 v19, v1;
	v2 =	vadd.f32 v31, v2  }
0xfc: {  	v29 =	vld [tilespmem:$0x116A0];
	v0 =	vadd.f32 v22, v0;
	v4 =	vadd.f32 v18, v4  }
0xfd: {  	v60 =	vld [tilespmem:$0x11730];
	v1 =	vadd.f32 v25, v1;
	v2 =	vadd.f32 v36, v2  }
0xfe: {  	v45 =	vld [tilespmem:$0x117D0];
	v0 =	vadd.f32 v27, v0;
	v4 =	vadd.f32 v23, v4  }
0xff: {  	v16 =	vld [tilespmem:$0x11670];
	v1 =	vadd.f32 v30, v1;
	v2 =	vadd.f32 v42, v2  }
0x100: {  	v61 =	vld [tilespmem:$0x11740];
	v0 =	vadd.f32 v33, v0;
	v4 =	vadd.f32 v28, v4  }
0x101: {  	v48 =	vld [tilespmem:$0x11800];
	v1 =	vadd.f32 v35, v1;
	v2 =	vadd.f32 v47, v2  }
0x102: {  	v30 =	vld [tilespmem:$0x11770];
	v0 =	vadd.f32 v38, v0;
	v4 =	vadd.f32 v34, v4  }
0x103: {  	v35 =	vld [tilespmem:$0x11790];
	v1 =	vadd.f32 v41, v1;
	v2 =	vadd.f32 v13, v2  }
0x104: {  	v47 =	vld [tilespmem:$0x117F0];
	v0 =	vadd.f32 v43, v0;
	v4 =	vadd.f32 v39, v4  }
0x105: {  	v41 =	vld [tilespmem:$0x117B0];
	v1 =	vadd.f32 v46, v1;
	v2 =	vadd.f32 v29, v2  }
0x106: {  	v46 =	vld [tilespmem:$0x117E0];
	v0 =	vadd.f32 v49, v0;
	v4 =	vadd.f32 v44, v4  }
0x107: {  	v33 =	vld [tilespmem:$0x11780];
	v1 =	vadd.f32 v51, v1;
	v2 =	vadd.f32 v55, v2  }
0x108: {  	v51 =	vld [tilespmem:$0x11830];
	v0 =	vadd.f32 v16, v0;
	v4 =	vadd.f32 v50, v4  }
0x109: {  	v55 =	vld [tilespmem:$0x11870];
	v1 =	vadd.f32 v24, v1;
	v2 =	vadd.f32 v59, v2  }
0x10a: {  	v59 =	vld [tilespmem:$0x118B0];
	v0 =	vadd.f32 v52, v0;
	v4 =	vadd.f32 v21, v4  }
0x10b: {  	v43 =	vld [tilespmem:$0x117C0];
	v1 =	vadd.f32 v54, v1  }
0x10c: {  	v54 =	vld [tilespmem:$0x11860];
	v0 =	vadd.f32 v56, v0;
	v4 =	vadd.f32 v53, v4  }
0x10d: {  	v2 =	vadd.f32 v63, v2;
	v63 =	vld [tilespmem:$0x118F0];
	v1 =	vadd.f32 v58, v1  }
0x10e: {  	v49 =	vld [tilespmem:$0x11810];
	v0 =	vadd.f32 v60, v0;
	v4 =	vadd.f32 v57, v4  }
0x10f: {  	v58 =	vld [tilespmem:$0x118A0];
	v1 =	vadd.f32 v62, v1  }
0x110: {  	v50 =	vld [tilespmem:$0x11820];
	v0 =	vadd.f32 v30, v0;
	v4 =	vadd.f32 v61, v4  }
0x111: {  	v2 =	vadd.f32 v40, v2;
	v62 =	vld [tilespmem:$0x118E0];
	v1 =	vadd.f32 v35, v1  }
0x112: {  	v53 =	vld [tilespmem:$0x11850];
	v0 =	vadd.f32 v41, v0;
	v4 =	vadd.f32 v33, v4  }
0x113: {  	v2 =	vadd.f32 v46, v2;
	v52 =	vld [tilespmem:$0x11840];
	v1 =	vadd.f32 v45, v1  }
0x114: {  	v57 =	vld [tilespmem:$0x11890];
	v0 =	vadd.f32 v47, v0;
	v4 =	vadd.f32 v43, v4  }
0x115: {  	v56 =	vld [tilespmem:$0x11880];
	v1 =	vadd.f32 v49, v1;
	v2 =	vadd.f32 v50, v2  }
0x116: {  	v61 =	vld [tilespmem:$0x118D0];
	v0 =	vadd.f32 v51, v0;
	v4 =	vadd.f32 v48, v4  }
0x117: {  	v60 =	vld [tilespmem:$0x118C0];
	v2 =	vadd.f32 v54, v2;
	v1 =	vadd.f32 v53, v1  }
0x118: {  	v0 =	vadd.f32 v55, v0;
	v3 =	vadd.f32 v52, v4  }
0x119: {  	v2 =	vadd.f32 v58, v2;
	v1 =	vadd.f32 v57, v1  }
0x11a: {  	v0 =	vadd.f32 v59, v0;
	v3 =	vadd.f32 v56, v3  }
0x11b: {  	v2 =	vadd.f32 v62, v2;
	v1 =	vadd.f32 v61, v1  }
0x11c: {  	v0 =	vadd.f32 v63, v0;
	v3 =	vadd.f32 v60, v3;
	_ =	sdelay $0x1  }
0x11d: {  	v0 =	vadd.f32 v0, v2;
	v1 =	vadd.f32 v1, v3;
	_ =	sdelay $0x1  }
0x11e: {  	v0 =	vadd.f32 v0, v1;
	_ =	sdelay $0x1  }
0x11f: {  	v0 =	vsub.f32 $0.0e+00, v0;
	_ =	sdelay $0x1  }
0x120: {  	v0 =	vmul.f32 $1.442695020e+00, v0;
	_ =	sdelay $0x1  }
0x121: {  	(erf) = vpow2.f32 v0;
	_ =	sdelay $0x8  }
0x122: {  	v0 =	vpop (erf)  }
0x123: {  	v0 =	vadd.f32 $1.000000000e+00, v0;
	_ =	sdelay $0x1  }
0x124: {  	(erf) = vrcp.f32 v0;
	_ =	sdelay $0x4  }
0x125: {  	p1 =	sne.s32 s20, $0xF80  }
.Ltmp0:
0x126: {  	_ = 	snop;
	(pc) =	sbr.rel @p1 .LBB2_2-.Ltmp0, $3  }
0x127: {  	_ =	sdelay $0x1  }
0x128: {  	v0 =	vpop (erf)  }
0x129: {  	s18 =	sadd.s32 $0x1, s18;
	s20 =	sadd.s32 $0x80, s20;
	[tilespmem:s19+$0x0] =	vst v0;
	s19 =	sadd.s32 $0x10, s19  }
0x12a: {  	s17 =	sadd.s32 $0x1, s17  }
0x12b: {  	p1 =	sne.s32 s17, s6  }
.Ltmp1:
0x12c: {  	_ = 	snop;
	(pc) =	sbr.rel @p1 .LBB2_1-.Ltmp1, $4  }
0x12d: {  	[hbm4b:s5+s2] =	stream.linear.scatter [tilespmem:s16], [sflag:$0x2], $0x200, $0x38;
	[tilespmem:$0x11B00] =	vst v63  }
0x12e: {  	_ =	swait.ge [sflag:s12], $0x200  }
0x12f: {  	[sflag:s12] =	ssyncset.done $0x0  }
0x130: {  	[sflag:s12] =	ssyncadd.s32 $0xFFFFFE00  }
0x131: {  	_ =	sfence.sel $0x180000  }
0x132: {  	[bflag:$0x0] =	sbarrier.arrive $0xFFFF  }
0x133: {  	_ =	strace $0x90000047  }
0x134: {  	s0 =	sadd.s32 @!p0 $0x100000, s0;
	[bflag:$0x2] =	sbarrier.arrive $0xFFFF  }
0x135: {  	[sflag:s0] =	ssyncadd.tile.s32 @!p0 $0x1;
	_ =	shalt  }
.Lfunc_end2:
_tile_overlayer_lowered:
.L_overlay_start_2:
0x136: {  	(tag) =	ssettag $0x2  }
0x137: {  	s0 =	rddreg [dreg:$0x0];
	s2 =	stileid.u32  }
0x138: {  	s1 =	rddreg [dreg:$0x1];
	p0 =	sne.s32 s2, $0x0  }
0x139: {  	s3 =	rddreg [dreg:$0x2];
	[bflag:$0x3] =	sbarrier.arrive $0xFFFF;
	s2 =	simm.s32 @!p0 $0x1C02  }
0x13a: {  	[timem:s3], [sflag:s2] =	dma.local @!p0 [hbm:s0], s1  }
0x13b: {  	s0 =	simm.s32 @!p0 $0x2  }
0x13c: {  	_ =	swait.ge @!p0 [sflag:s0], s1  }
0x13d: {  	s1 =	ssub.s32 @!p0 $0x0, s1;
	[sflag:s0] =	ssyncset.done @!p0 $0x0  }
0x13e: {  	[sflag:s0] =	ssyncadd.s32 @!p0 s1  }
0x13f: {  	[bflag:$0x3] =	sbarrier.arrive $0xFFFF  }
0x140: {  	_ =	shalt  }

</sc_bundles>
